<compile_context>
chip_gen: v7x
topology: tpu7x:2x2x1
jax: 0.10.2.dev20260603
libtpu: 0.0.44.dev20260713+nightly
codegen_flags: <defaults>
</compile_context>

<pallas_src>
import functools

import jax
import jax.numpy as jnp
import numpy as np
from jax import lax
from jax.experimental import pallas as pl
from jax.experimental.pallas import tpu as pltpu
from jax.experimental.pallas import tpu_sc as plsc

N_POINTS = 4_000_000
N_L, N_B, N_MU = 90, 20, 16
N_BINS = N_L * N_B * N_MU

_GRID_LO = np.array([-90.0, -12.0, 10.0], dtype=np.float32)
_GRID_HI = np.array([90.0, 12.0, 13.0], dtype=np.float32)
_DX = ((_GRID_HI - _GRID_LO) / np.array([N_L, N_B, N_MU], dtype=np.float32)).astype(np.float32)

N_BLOCKS = N_POINTS // 128
BASE_BLOCKS = N_BLOCKS // 32
EXTRA_TILES = N_BLOCKS - 32 * BASE_BLOCKS
CHUNK_BLK = 61
N_CHUNKS = BASE_BLOCKS // CHUNK_BLK
CWORDS = CHUNK_BLK * 384
MWORDS = CHUNK_BLK * 128
RED = 1792
RED_MAX = 1920

_mesh = plsc.VectorSubcoreMesh(core_axis_name="c", subcore_axis_name="s")


@functools.partial(
    pl.kernel,
    out_type=jax.ShapeDtypeStruct((2, N_BINS), jnp.float32),
    mesh=_mesh,
    compiler_params=pltpu.CompilerParams(needs_layout_passes=False),
    scratch_types=[
        pltpu.VMEM((CWORDS,), jnp.float32),
        pltpu.VMEM((CWORDS,), jnp.float32),
        pltpu.VMEM((MWORDS,), jnp.float32),
        pltpu.VMEM((MWORDS,), jnp.float32),
        pltpu.VMEM((N_BINS,), jnp.float32),
        pltpu.VMEM((RED_MAX,), jnp.float32),
        pltpu.VMEM((RED_MAX,), jnp.float32),
        pltpu.VMEM((RED_MAX,), jnp.float32),
        pltpu.VMEM_SHARED((16, N_BINS), jnp.float32),
        pltpu.SemaphoreType.DMA,
        pltpu.SemaphoreType.DMA,
    ],
)
def _sc_hist(pts_hbm, mass_hbm, out_hbm, cbufA, cbufB, mbufA, mbufB, hist,
             rowA, rowB, outbuf, shared, semA, semB):
    cid = lax.axis_index("c")
    sid = lax.axis_index("s")
    wid = sid * 2 + cid
    base_blk = wid * BASE_BLOCKS + jnp.minimum(wid, EXTRA_TILES)

    zeros = jnp.zeros((16,), jnp.float32)
    def _zero(i, _):
        hist[pl.ds(i * 16, 16)] = zeros
        return ()
    lax.fori_loop(0, N_BINS // 16, _zero, ())

    lo0 = jnp.float32(_GRID_LO[0]); dx0 = jnp.float32(_DX[0])
    lo1 = jnp.float32(_GRID_LO[1]); dx1 = jnp.float32(_DX[1])
    lo2 = jnp.float32(_GRID_LO[2]); dx2 = jnp.float32(_DX[2])

    def _start(cbuf, mbuf, sem, ci):
        blk = base_blk + ci * CHUNK_BLK
        pltpu.async_copy(pts_hbm.at[pl.ds(blk * 384, CWORDS)], cbuf, sem)
        pltpu.async_copy(mass_hbm.at[pl.ds(blk * 128, MWORDS)], mbuf, sem)

    def _wait(cbuf, mbuf, sem, ci):
        blk = base_blk + ci * CHUNK_BLK
        pltpu.make_async_copy(pts_hbm.at[pl.ds(blk * 384, CWORDS)], cbuf, sem).wait()
        pltpu.make_async_copy(mass_hbm.at[pl.ds(blk * 128, MWORDS)], mbuf, sem).wait()

    def _one(cbuf, mbuf, cb, mb):
        lv = cbuf[pl.ds(cb, 16)]
        bv = cbuf[pl.ds(cb + 128, 16)]
        uv = cbuf[pl.ds(cb + 256, 16)]
        mv = mbuf[pl.ds(mb, 16)]
        i0 = jnp.minimum(((lv - lo0) / dx0).astype(jnp.int32), N_L - 1)
        i1 = jnp.minimum(((bv - lo1) / dx1).astype(jnp.int32), N_B - 1)
        i2 = jnp.minimum(((uv - lo2) / dx2).astype(jnp.int32), N_MU - 1)
        flat = i0 * (N_B * N_MU) + i1 * N_MU + i2
        plsc.addupdate_scatter(hist, [flat], mv)

    def _compute(cbuf, mbuf):
        @plsc.parallel_loop(0, MWORDS, 16, unroll=4)
        def _vec(mb):
            inblk = mb & 127
            cb = (mb - inblk) * 3 + inblk
            _one(cbuf, mbuf, cb, mb)

    _start(cbufA, mbufA, semA, 0)
    def _pair(i, _):
        ci0 = 2 * i
        _start(cbufB, mbufB, semB, ci0 + 1)
        _wait(cbufA, mbufA, semA, ci0)
        _compute(cbufA, mbufA)
        _start(cbufA, mbufA, semA, jnp.minimum(ci0 + 2, N_CHUNKS - 1))
        _wait(cbufB, mbufB, semB, ci0 + 1)
        _compute(cbufB, mbufB)
        return ()
    lax.fori_loop(0, N_CHUNKS // 2, _pair, ())
    _wait(cbufA, mbufA, semA, N_CHUNKS - 1)

    @pl.when(wid < EXTRA_TILES)
    def _extra():
        blk = base_blk + N_CHUNKS * CHUNK_BLK
        pltpu.sync_copy(pts_hbm.at[pl.ds(blk * 384, 384)],
                        cbufA.at[pl.ds(0, 384)])
        pltpu.sync_copy(mass_hbm.at[pl.ds(blk * 128, 128)],
                        mbufA.at[pl.ds(0, 128)])
        for j in range(8):
            _one(cbufA, mbufA, j * 16, j * 16)

    pltpu.sync_copy(hist, shared.at[sid])
    plsc.subcore_barrier()
    rstart = sid * RED
    pltpu.sync_copy(shared.at[0, pl.ds(rstart, RED_MAX)], outbuf)
    pltpu.async_copy(shared.at[1, pl.ds(rstart, RED_MAX)], rowA, semA)
    rbufs = (rowB, rowA)
    rsems = (semB, semA)
    for k in range(1, 16):
        buf = rbufs[k % 2]
        pltpu.make_async_copy(shared.at[k, pl.ds(rstart, RED_MAX)], buf,
                              rsems[k % 2]).wait()
        if k < 15:
            pltpu.async_copy(shared.at[k + 1, pl.ds(rstart, RED_MAX)],
                             rbufs[(k + 1) % 2], rsems[(k + 1) % 2])
        def _red(v, _, buf=buf):
            s = v * 16
            outbuf[pl.ds(s, 16)] = outbuf[pl.ds(s, 16)] + buf[pl.ds(s, 16)]
            return ()
        lax.fori_loop(0, RED_MAX // 16, _red, ())
    pltpu.sync_copy(outbuf, out_hbm.at[cid, pl.ds(rstart, RED_MAX)])


def _tc_body(p_ref, lfr_ref, out_ref):
    h = p_ref[0] + p_ref[1]
    lfr = lfr_ref[...]
    w = jnp.concatenate([lfr[:, 5 - t:21 - t] for t in range(6)], axis=0)
    out_ref[...] = jax.lax.dot_general(
        h, w, (((1,), (1,)), ((), ())), preferred_element_type=jnp.float32)


_tc_reduce_conv = pl.pallas_call(
    _tc_body,
    out_shape=jax.ShapeDtypeStruct((N_L * N_B, 6), jnp.float32),
    in_specs=[
        pl.BlockSpec((2, N_L * N_B, N_MU), lambda: (0, 0, 0)),
        pl.BlockSpec((1, 21), lambda: (0, 0)),
    ],
    out_specs=pl.BlockSpec((N_L * N_B, 6), lambda: (0, 0)),
)


def kernel(l_b_mu, masses, lf_number):
    pts_strip = jnp.swapaxes(l_b_mu.reshape(N_BLOCKS, 128, 3), 1, 2).reshape(-1)
    partials = _sc_hist(pts_strip, masses)
    lf_rev = lf_number[::-1].reshape(1, 21)
    out = _tc_reduce_conv(partials.reshape(2, N_L * N_B, N_MU), lf_rev)
    return out.reshape(N_L, N_B, 6)

# --- scband reference (transcript-rebuilt; emitter-appended) ---
"""Pipeline reference for scband-position-magnitude-4741643894786 (READ-ONLY COPY).

The authoritative reference and input builder live on the scoring server;
editing this copy changes nothing except your own understanding.
"""

import jax, jax.numpy as jnp
import numpy as np

N_POINTS = 4000000
N_L, N_B, N_MU = 90, 20, 16
N_MAG = 6
GRID_LO = np.array([-90.0, -12.0, 10.0], dtype=np.float32)
GRID_HI = np.array([90.0, 12.0, 13.0], dtype=np.float32)
LF_NUMBER = np.array([0.1, 0.13, 0.17, 0.22, 0.28, 0.36, 0.46, 0.6, 0.77, 1.0, 1.29, 1.66, 2.14, 2.76, 3.56, 4.59, 5.92, 7.63, 9.84, 12.68, 16.35], dtype=np.float32)


def setup_inputs(seed: int = 0) -> dict:
    key = jax.random.key(seed)
    k1, k2 = jax.random.split(key)
    lo = jnp.asarray(GRID_LO)
    hi = jnp.asarray(GRID_HI)
    u = jax.random.uniform(k1, (N_POINTS, 3), dtype=jnp.float32)
    l_b_mu = lo + u * (hi - lo)  # uniform fill scaled to span the (l, b, mu) grid
    masses = jax.random.uniform(k2, (N_POINTS,), dtype=jnp.float32)
    lf_number = jnp.asarray(LF_NUMBER)
    return {"l_b_mu": l_b_mu, "masses": masses, "lf_number": lf_number}


def _grid_data_nearest(points, weights):
    # Grid.grid_data with method='nearest': weighted 3D histogram via scatter-add.
    lo = jnp.asarray(GRID_LO)
    hi = jnp.asarray(GRID_HI)
    n = jnp.array([N_L, N_B, N_MU], dtype=jnp.int32)
    dx = (hi - lo) / n.astype(jnp.float32)
    pts = jax.lax.stop_gradient(points)  # binning indices are non-differentiable
    idx = jnp.floor((pts - lo) / dx).astype(jnp.int32)
    idx = jnp.clip(idx, 0, n - 1)
    flat = idx[:, 0] * (N_B * N_MU) + idx[:, 1] * N_MU + idx[:, 2]
    hist = jnp.zeros((N_L * N_B * N_MU,), dtype=weights.dtype).at[flat].add(weights)
    return hist.reshape(N_L, N_B, N_MU)


def _convolve_distance_modulus_with_lf(hist, lf_number):
    # Equivalent to torch: conv1d(lf[1,1,L], weight=hist.reshape(-1,1,K).flip(-1))
    # out[l,b,t] = sum_k hist_flipped[l,b,k] * lf[t+k],  t in [0, L-K]
    K = hist.shape[-1]
    n_out = lf_number.shape[0] - K + 1
    hflip = hist[..., ::-1]
    windows = jnp.stack([lf_number[t:t + K] for t in range(n_out)], axis=0)  # (n_out, K)
    return jnp.einsum('lbk,tk->lbt', hflip, windows)


def reference(l_b_mu, masses, lf_number):
    hist = _grid_data_nearest(l_b_mu, masses)
    out = _convolve_distance_modulus_with_lf(hist, lf_number)
    return out

if __name__ == "__main__":
    import jax
    _d = setup_inputs()
    print(jax.jit(kernel)(*tuple(_d.values())))

</pallas_src>

<mosaic_0001>
#map = affine_map<(d0, d1) -> (0)>
#map1 = affine_map<(d0, d1) -> (0, 0)>
module attributes {stable_mosaic.version = 14 : i64} {
  func.func @_sc_hist(%arg0: i32, %arg1: i32, %arg2: memref<12000000xf32, #tpu.memory_space<hbm>>, %arg3: memref<4000000xf32, #tpu.memory_space<hbm>>, %arg4: memref<2x28800xf32, #tpu.memory_space<hbm>>, %arg5: memref<23424xf32, #tpu.memory_space<vmem>>, %arg6: memref<23424xf32, #tpu.memory_space<vmem>>, %arg7: memref<7808xf32, #tpu.memory_space<vmem>>, %arg8: memref<7808xf32, #tpu.memory_space<vmem>>, %arg9: memref<28800xf32, #tpu.memory_space<vmem>>, %arg10: memref<1920xf32, #tpu.memory_space<vmem>>, %arg11: memref<1920xf32, #tpu.memory_space<vmem>>, %arg12: memref<1920xf32, #tpu.memory_space<vmem>>, %arg13: memref<16x28800xf32, #tpu.memory_space<vmem_shared>>, %arg14: memref<!tpu.dma_semaphore, #tpu.memory_space<semaphore_mem>>, %arg15: memref<!tpu.dma_semaphore, #tpu.memory_space<semaphore_mem>>) attributes {dimension_semantics = [#tpu.dimension_semantics<core_parallel>, #tpu.dimension_semantics<subcore_parallel>], iteration_bounds = array<i64: 2, 16>, scalar_prefetch = 0 : i64, scratch_operands = 11 : i64, tpu.core_type = #tpu.core_type<sc_vector_subcore>, window_params = [{transform_indices = #map}, {transform_indices = #map}, {transform_indices = #map1}]} {
    %mul3A = arith.constant 2 : i32
    %mul3A_0 = arith.muli %arg1, %mul3A : i32
    %add3A = arith.addi %mul3A_0, %arg0 : i32
    %mul3A_1 = arith.constant 976 : i32
    %mul3A_2 = arith.muli %add3A, %mul3A_1 : i32
    %min3A = arith.constant 18 : i32
    %min3A_3 = arith.minsi %add3A, %min3A : i32
    %add3A_4 = arith.addi %mul3A_2, %min3A_3 : i32
    %broadcast_in_dim3A = arith.constant 0.000000e+00 : f32
    %broadcast_in_dim3A_5 = vector.broadcast %broadcast_in_dim3A : f32 to vector<16xf32>
    %scan3A = arith.constant 0 : i32
    %scan3A_6 = arith.constant 1800 : i32
    %scan3A_7 = arith.addi %scan3A, %scan3A_6 : i32
    %scan3A_8 = arith.constant 1 : i32
    scf.for %scan3A_274 = %scan3A to %scan3A_7 step %scan3A_8  : i32 {
      %mul3A_275 = arith.constant 16 : i32
      %mul3A_276 = arith.muli %scan3A_274, %mul3A_275 : i32
      %swap3A = arith.index_cast %mul3A_276 : i32 to index
      %swap3A_277 = tpu.vector_load %arg9[%swap3A] {strides = array<i32>} : memref<28800xf32, #tpu.memory_space<vmem>>, vector<16xf32>,
      tpu.vector_store %arg9[%swap3A], %broadcast_in_dim3A_5 {strides = array<i32>} : memref<28800xf32, #tpu.memory_space<vmem>>, vector<16xf32>,
    }
    %scan3A_9 = arith.constant 1800 : i32
    %add3A_10 = arith.constant 0 : i32
    %add3A_11 = arith.addi %add3A_4, %add3A_10 : i32
    %mul3A_12 = arith.constant 384 : i32
    %mul3A_13 = arith.muli %add3A_11, %mul3A_12 : i32
    %dma_start3A = tpu.memref_slice %arg2[%mul3A_13] : memref<12000000xf32, #tpu.memory_space<hbm>> -> memref<23424xf32, #tpu.memory_space<hbm>>
    %dma_start3A_14 = tpu.memref_slice %arg2[%mul3A_13] : memref<12000000xf32, #tpu.memory_space<hbm>> -> memref<23424xf32, #tpu.memory_space<hbm>>
    tpu.enqueue_dma source(%dma_start3A_14 : memref<23424xf32, #tpu.memory_space<hbm>>) target(%arg5 : memref<23424xf32, #tpu.memory_space<vmem>>) target_semaphore(%arg14 : memref<!tpu.dma_semaphore, #tpu.memory_space<semaphore_mem>>)
    %mul3A_15 = arith.constant 128 : i32
    %mul3A_16 = arith.muli %add3A_11, %mul3A_15 : i32
    %dma_start3A_17 = tpu.memref_slice %arg3[%mul3A_16] : memref<4000000xf32, #tpu.memory_space<hbm>> -> memref<7808xf32, #tpu.memory_space<hbm>>
    %dma_start3A_18 = tpu.memref_slice %arg3[%mul3A_16] : memref<4000000xf32, #tpu.memory_space<hbm>> -> memref<7808xf32, #tpu.memory_space<hbm>>
    tpu.enqueue_dma source(%dma_start3A_18 : memref<7808xf32, #tpu.memory_space<hbm>>) target(%arg7 : memref<7808xf32, #tpu.memory_space<vmem>>) target_semaphore(%arg14 : memref<!tpu.dma_semaphore, #tpu.memory_space<semaphore_mem>>)
    %scan3A_19 = arith.constant -9.000000e+01 : f32
    %scan3A_20 = arith.constant 2.000000e+00 : f32
    %scan3A_21 = arith.constant -1.200000e+01 : f32
    %scan3A_22 = arith.constant 1.200000e+00 : f32
    %scan3A_23 = arith.constant 1.000000e+01 : f32
    %scan3A_24 = arith.constant 1.875000e-01 : f32
    %scan3A_25 = arith.constant 0 : i32
    %scan3A_26 = arith.constant 8 : i32
    %scan3A_27 = arith.addi %scan3A_25, %scan3A_26 : i32
    %scan3A_28 = arith.constant 1 : i32
    scf.for %scan3A_274 = %scan3A_25 to %scan3A_27 step %scan3A_28  : i32 {
      %mul3A_275 = arith.constant 2 : i32
      %mul3A_276 = arith.muli %mul3A_275, %scan3A_274 : i32
      %add3A_277 = arith.constant 1 : i32
      %add3A_278 = arith.addi %mul3A_276, %add3A_277 : i32
      %mul3A_279 = arith.constant 61 : i32
      %mul3A_280 = arith.muli %add3A_278, %mul3A_279 : i32
      %add3A_281 = arith.addi %add3A_4, %mul3A_280 : i32
      %mul3A_282 = arith.constant 384 : i32
      %mul3A_283 = arith.muli %add3A_281, %mul3A_282 : i32
      %dma_start3A_284 = tpu.memref_slice %arg2[%mul3A_283] : memref<12000000xf32, #tpu.memory_space<hbm>> -> memref<23424xf32, #tpu.memory_space<hbm>>
      %dma_start3A_285 = tpu.memref_slice %arg2[%mul3A_283] : memref<12000000xf32, #tpu.memory_space<hbm>> -> memref<23424xf32, #tpu.memory_space<hbm>>
      tpu.enqueue_dma source(%dma_start3A_285 : memref<23424xf32, #tpu.memory_space<hbm>>) target(%arg6 : memref<23424xf32, #tpu.memory_space<vmem>>) target_semaphore(%arg15 : memref<!tpu.dma_semaphore, #tpu.memory_space<semaphore_mem>>)
      %mul3A_286 = arith.constant 128 : i32
      %mul3A_287 = arith.muli %add3A_281, %mul3A_286 : i32
      %dma_start3A_288 = tpu.memref_slice %arg3[%mul3A_287] : memref<4000000xf32, #tpu.memory_space<hbm>> -> memref<7808xf32, #tpu.memory_space<hbm>>
      %dma_start3A_289 = tpu.memref_slice %arg3[%mul3A_287] : memref<4000000xf32, #tpu.memory_space<hbm>> -> memref<7808xf32, #tpu.memory_space<hbm>>
      tpu.enqueue_dma source(%dma_start3A_289 : memref<7808xf32, #tpu.memory_space<hbm>>) target(%arg8 : memref<7808xf32, #tpu.memory_space<vmem>>) target_semaphore(%arg15 : memref<!tpu.dma_semaphore, #tpu.memory_space<semaphore_mem>>)
      %mul3A_290 = arith.constant 61 : i32
      %mul3A_291 = arith.muli %mul3A_276, %mul3A_290 : i32
      %add3A_292 = arith.addi %add3A_4, %mul3A_291 : i32
      %mul3A_293 = arith.constant 384 : i32
      %mul3A_294 = arith.muli %add3A_292, %mul3A_293 : i32
      %dma_wait3A_295 = tpu.memref_slice %arg2[%mul3A_294] : memref<12000000xf32, #tpu.memory_space<hbm>> -> memref<23424xf32, #tpu.memory_space<hbm>>
      %dma_wait3A_296 = tpu.memref_slice %arg2[%mul3A_294] : memref<12000000xf32, #tpu.memory_space<hbm>> -> memref<23424xf32, #tpu.memory_space<hbm>>
      tpu.wait_dma2 semaphore(%arg14 : memref<!tpu.dma_semaphore, #tpu.memory_space<semaphore_mem>>) src(%dma_wait3A_296 : memref<23424xf32, #tpu.memory_space<hbm>>) dst(%arg5 : memref<23424xf32, #tpu.memory_space<vmem>>)
      %mul3A_297 = arith.constant 128 : i32
      %mul3A_298 = arith.muli %add3A_292, %mul3A_297 : i32
      %dma_wait3A_299 = tpu.memref_slice %arg3[%mul3A_298] : memref<4000000xf32, #tpu.memory_space<hbm>> -> memref<7808xf32, #tpu.memory_space<hbm>>
      %dma_wait3A_300 = tpu.memref_slice %arg3[%mul3A_298] : memref<4000000xf32, #tpu.memory_space<hbm>> -> memref<7808xf32, #tpu.memory_space<hbm>>
      tpu.wait_dma2 semaphore(%arg14 : memref<!tpu.dma_semaphore, #tpu.memory_space<semaphore_mem>>) src(%dma_wait3A_300 : memref<7808xf32, #tpu.memory_space<hbm>>) dst(%arg7 : memref<7808xf32, #tpu.memory_space<vmem>>)
      %parallel_loop3A = arith.constant 0 : i32
      %parallel_loop3A_301 = arith.constant 7808 : i32
      %parallel_loop3A_302 = arith.constant 16 : i32
      scf.for %parallel_loop3A_334 = %parallel_loop3A to %parallel_loop3A_301 step %parallel_loop3A_302  : i32 {
        %parallel_loop3A_335 = arith.constant 127 : i32
        %parallel_loop3A_336 = arith.andi %parallel_loop3A_334, %parallel_loop3A_335 : i32
        %parallel_loop3A_337 = arith.subi %parallel_loop3A_334, %parallel_loop3A_336 : i32
        %parallel_loop3A_338 = arith.constant 3 : i32
        %parallel_loop3A_339 = arith.muli %parallel_loop3A_337, %parallel_loop3A_338 : i32
        %parallel_loop3A_340 = arith.addi %parallel_loop3A_339, %parallel_loop3A_336 : i32
        %parallel_loop3A_341 = arith.index_cast %parallel_loop3A_340 : i32 to index
        %parallel_loop3A_342 = tpu.vector_load %arg5[%parallel_loop3A_341] {strides = array<i32>} : memref<23424xf32, #tpu.memory_space<vmem>>, vector<16xf32>,
        %parallel_loop3A_343 = arith.constant 128 : i32
        %parallel_loop3A_344 = arith.addi %parallel_loop3A_340, %parallel_loop3A_343 : i32
        %parallel_loop3A_345 = arith.index_cast %parallel_loop3A_344 : i32 to index
        %parallel_loop3A_346 = tpu.vector_load %arg5[%parallel_loop3A_345] {strides = array<i32>} : memref<23424xf32, #tpu.memory_space<vmem>>, vector<16xf32>,
        %parallel_loop3A_347 = arith.constant 256 : i32
        %parallel_loop3A_348 = arith.addi %parallel_loop3A_340, %parallel_loop3A_347 : i32
        %parallel_loop3A_349 = arith.index_cast %parallel_loop3A_348 : i32 to index
        %parallel_loop3A_350 = tpu.vector_load %arg5[%parallel_loop3A_349] {strides = array<i32>} : memref<23424xf32, #tpu.memory_space<vmem>>, vector<16xf32>,
        %parallel_loop3A_351 = arith.index_cast %parallel_loop3A_334 : i32 to index
        %parallel_loop3A_352 = tpu.vector_load %arg7[%parallel_loop3A_351] {strides = array<i32>} : memref<7808xf32, #tpu.memory_space<vmem>>, vector<16xf32>,
        %parallel_loop3A_353 = vector.broadcast %scan3A_19 : f32 to vector<16xf32>
        %parallel_loop3A_354 = arith.subf %parallel_loop3A_342, %parallel_loop3A_353 : vector<16xf32>
        %parallel_loop3A_355 = vector.broadcast %scan3A_20 : f32 to vector<16xf32>
        %parallel_loop3A_356 = arith.divf %parallel_loop3A_354, %parallel_loop3A_355 : vector<16xf32>
        %parallel_loop3A_357 = arith.fptosi %parallel_loop3A_356 : vector<16xf32> to vector<16xi32>
        %parallel_loop3A_358 = arith.constant 89 : i32
        %parallel_loop3A_359 = vector.broadcast %parallel_loop3A_358 : i32 to vector<16xi32>
        %parallel_loop3A_360 = arith.minsi %parallel_loop3A_357, %parallel_loop3A_359 : vector<16xi32>
        %parallel_loop3A_361 = vector.broadcast %scan3A_21 : f32 to vector<16xf32>
        %parallel_loop3A_362 = arith.subf %parallel_loop3A_346, %parallel_loop3A_361 : vector<16xf32>
        %parallel_loop3A_363 = vector.broadcast %scan3A_22 : f32 to vector<16xf32>
        %parallel_loop3A_364 = arith.divf %parallel_loop3A_362, %parallel_loop3A_363 : vector<16xf32>
        %parallel_loop3A_365 = arith.fptosi %parallel_loop3A_364 : vector<16xf32> to vector<16xi32>
        %parallel_loop3A_366 = arith.constant 19 : i32
        %parallel_loop3A_367 = vector.broadcast %parallel_loop3A_366 : i32 to vector<16xi32>
        %parallel_loop3A_368 = arith.minsi %parallel_loop3A_365, %parallel_loop3A_367 : vector<16xi32>
        %parallel_loop3A_369 = vector.broadcast %scan3A_23 : f32 to vector<16xf32>
        %parallel_loop3A_370 = arith.subf %parallel_loop3A_350, %parallel_loop3A_369 : vector<16xf32>
        %parallel_loop3A_371 = vector.broadcast %scan3A_24 : f32 to vector<16xf32>
        %parallel_loop3A_372 = arith.divf %parallel_loop3A_370, %parallel_loop3A_371 : vector<16xf32>
        %parallel_loop3A_373 = arith.fptosi %parallel_loop3A_372 : vector<16xf32> to vector<16xi32>
        %parallel_loop3A_374 = arith.constant 15 : i32
        %parallel_loop3A_375 = vector.broadcast %parallel_loop3A_374 : i32 to vector<16xi32>
        %parallel_loop3A_376 = arith.minsi %parallel_loop3A_373, %parallel_loop3A_375 : vector<16xi32>
        %parallel_loop3A_377 = arith.constant 320 : i32
        %parallel_loop3A_378 = vector.broadcast %parallel_loop3A_377 : i32 to vector<16xi32>
        %parallel_loop3A_379 = arith.muli %parallel_loop3A_360, %parallel_loop3A_378 : vector<16xi32>
        %parallel_loop3A_380 = arith.constant 16 : i32
        %parallel_loop3A_381 = vector.broadcast %parallel_loop3A_380 : i32 to vector<16xi32>
        %parallel_loop3A_382 = arith.muli %parallel_loop3A_368, %parallel_loop3A_381 : vector<16xi32>
        %parallel_loop3A_383 = arith.addi %parallel_loop3A_379, %parallel_loop3A_382 : vector<16xi32>
        %parallel_loop3A_384 = arith.addi %parallel_loop3A_383, %parallel_loop3A_376 : vector<16xi32>
        tpu.vector_store_idx %arg9[%parallel_loop3A_384], %parallel_loop3A_352 {add = true} : memref<28800xf32, #tpu.memory_space<vmem>>[vector<16xi32>], vector<16xf32>,
      } {sc.loop_unroll_factor = 4 : i64, sc.parallel_access}
      %add3A_303 = arith.constant 2 : i32
      %add3A_304 = arith.addi %mul3A_276, %add3A_303 : i32
      %min3A_305 = arith.constant 15 : i32
      %min3A_306 = arith.minsi %add3A_304, %min3A_305 : i32
      %mul3A_307 = arith.constant 61 : i32
      %mul3A_308 = arith.muli %min3A_306, %mul3A_307 : i32
      %add3A_309 = arith.addi %add3A_4, %mul3A_308 : i32
      %mul3A_310 = arith.constant 384 : i32
      %mul3A_311 = arith.muli %add3A_309, %mul3A_310 : i32
      %dma_start3A_312 = tpu.memref_slice %arg2[%mul3A_311] : memref<12000000xf32, #tpu.memory_space<hbm>> -> memref<23424xf32, #tpu.memory_space<hbm>>
      %dma_start3A_313 = tpu.memref_slice %arg2[%mul3A_311] : memref<12000000xf32, #tpu.memory_space<hbm>> -> memref<23424xf32, #tpu.memory_space<hbm>>
      tpu.enqueue_dma source(%dma_start3A_313 : memref<23424xf32, #tpu.memory_space<hbm>>) target(%arg5 : memref<23424xf32, #tpu.memory_space<vmem>>) target_semaphore(%arg14 : memref<!tpu.dma_semaphore, #tpu.memory_space<semaphore_mem>>)
      %mul3A_314 = arith.constant 128 : i32
      %mul3A_315 = arith.muli %add3A_309, %mul3A_314 : i32
      %dma_start3A_316 = tpu.memref_slice %arg3[%mul3A_315] : memref<4000000xf32, #tpu.memory_space<hbm>> -> memref<7808xf32, #tpu.memory_space<hbm>>
      %dma_start3A_317 = tpu.memref_slice %arg3[%mul3A_315] : memref<4000000xf32, #tpu.memory_space<hbm>> -> memref<7808xf32, #tpu.memory_space<hbm>>
      tpu.enqueue_dma source(%dma_start3A_317 : memref<7808xf32, #tpu.memory_space<hbm>>) target(%arg7 : memref<7808xf32, #tpu.memory_space<vmem>>) target_semaphore(%arg14 : memref<!tpu.dma_semaphore, #tpu.memory_space<semaphore_mem>>)
      %add3A_318 = arith.constant 1 : i32
      %add3A_319 = arith.addi %mul3A_276, %add3A_318 : i32
      %mul3A_320 = arith.constant 61 : i32
      %mul3A_321 = arith.muli %add3A_319, %mul3A_320 : i32
      %add3A_322 = arith.addi %add3A_4, %mul3A_321 : i32
      %mul3A_323 = arith.constant 384 : i32
      %mul3A_324 = arith.muli %add3A_322, %mul3A_323 : i32
      %dma_wait3A_325 = tpu.memref_slice %arg2[%mul3A_324] : memref<12000000xf32, #tpu.memory_space<hbm>> -> memref<23424xf32, #tpu.memory_space<hbm>>
      %dma_wait3A_326 = tpu.memref_slice %arg2[%mul3A_324] : memref<12000000xf32, #tpu.memory_space<hbm>> -> memref<23424xf32, #tpu.memory_space<hbm>>
      tpu.wait_dma2 semaphore(%arg15 : memref<!tpu.dma_semaphore, #tpu.memory_space<semaphore_mem>>) src(%dma_wait3A_326 : memref<23424xf32, #tpu.memory_space<hbm>>) dst(%arg6 : memref<23424xf32, #tpu.memory_space<vmem>>)
      %mul3A_327 = arith.constant 128 : i32
      %mul3A_328 = arith.muli %add3A_322, %mul3A_327 : i32
      %dma_wait3A_329 = tpu.memref_slice %arg3[%mul3A_328] : memref<4000000xf32, #tpu.memory_space<hbm>> -> memref<7808xf32, #tpu.memory_space<hbm>>
      %dma_wait3A_330 = tpu.memref_slice %arg3[%mul3A_328] : memref<4000000xf32, #tpu.memory_space<hbm>> -> memref<7808xf32, #tpu.memory_space<hbm>>
      tpu.wait_dma2 semaphore(%arg15 : memref<!tpu.dma_semaphore, #tpu.memory_space<semaphore_mem>>) src(%dma_wait3A_330 : memref<7808xf32, #tpu.memory_space<hbm>>) dst(%arg8 : memref<7808xf32, #tpu.memory_space<vmem>>)
      %parallel_loop3A_331 = arith.constant 0 : i32
      %parallel_loop3A_332 = arith.constant 7808 : i32
      %parallel_loop3A_333 = arith.constant 16 : i32
      scf.for %parallel_loop3A_334 = %parallel_loop3A_331 to %parallel_loop3A_332 step %parallel_loop3A_333  : i32 {
        %parallel_loop3A_335 = arith.constant 127 : i32
        %parallel_loop3A_336 = arith.andi %parallel_loop3A_334, %parallel_loop3A_335 : i32
        %parallel_loop3A_337 = arith.subi %parallel_loop3A_334, %parallel_loop3A_336 : i32
        %parallel_loop3A_338 = arith.constant 3 : i32
        %parallel_loop3A_339 = arith.muli %parallel_loop3A_337, %parallel_loop3A_338 : i32
        %parallel_loop3A_340 = arith.addi %parallel_loop3A_339, %parallel_loop3A_336 : i32
        %parallel_loop3A_341 = arith.index_cast %parallel_loop3A_340 : i32 to index
        %parallel_loop3A_342 = tpu.vector_load %arg6[%parallel_loop3A_341] {strides = array<i32>} : memref<23424xf32, #tpu.memory_space<vmem>>, vector<16xf32>,
        %parallel_loop3A_343 = arith.constant 128 : i32
        %parallel_loop3A_344 = arith.addi %parallel_loop3A_340, %parallel_loop3A_343 : i32
        %parallel_loop3A_345 = arith.index_cast %parallel_loop3A_344 : i32 to index
        %parallel_loop3A_346 = tpu.vector_load %arg6[%parallel_loop3A_345] {strides = array<i32>} : memref<23424xf32, #tpu.memory_space<vmem>>, vector<16xf32>,
        %parallel_loop3A_347 = arith.constant 256 : i32
        %parallel_loop3A_348 = arith.addi %parallel_loop3A_340, %parallel_loop3A_347 : i32
        %parallel_loop3A_349 = arith.index_cast %parallel_loop3A_348 : i32 to index
        %parallel_loop3A_350 = tpu.vector_load %arg6[%parallel_loop3A_349] {strides = array<i32>} : memref<23424xf32, #tpu.memory_space<vmem>>, vector<16xf32>,
        %parallel_loop3A_351 = arith.index_cast %parallel_loop3A_334 : i32 to index
        %parallel_loop3A_352 = tpu.vector_load %arg8[%parallel_loop3A_351] {strides = array<i32>} : memref<7808xf32, #tpu.memory_space<vmem>>, vector<16xf32>,
        %parallel_loop3A_353 = vector.broadcast %scan3A_19 : f32 to vector<16xf32>
        %parallel_loop3A_354 = arith.subf %parallel_loop3A_342, %parallel_loop3A_353 : vector<16xf32>
        %parallel_loop3A_355 = vector.broadcast %scan3A_20 : f32 to vector<16xf32>
        %parallel_loop3A_356 = arith.divf %parallel_loop3A_354, %parallel_loop3A_355 : vector<16xf32>
        %parallel_loop3A_357 = arith.fptosi %parallel_loop3A_356 : vector<16xf32> to vector<16xi32>
        %parallel_loop3A_358 = arith.constant 89 : i32
        %parallel_loop3A_359 = vector.broadcast %parallel_loop3A_358 : i32 to vector<16xi32>
        %parallel_loop3A_360 = arith.minsi %parallel_loop3A_357, %parallel_loop3A_359 : vector<16xi32>
        %parallel_loop3A_361 = vector.broadcast %scan3A_21 : f32 to vector<16xf32>
        %parallel_loop3A_362 = arith.subf %parallel_loop3A_346, %parallel_loop3A_361 : vector<16xf32>
        %parallel_loop3A_363 = vector.broadcast %scan3A_22 : f32 to vector<16xf32>
        %parallel_loop3A_364 = arith.divf %parallel_loop3A_362, %parallel_loop3A_363 : vector<16xf32>
        %parallel_loop3A_365 = arith.fptosi %parallel_loop3A_364 : vector<16xf32> to vector<16xi32>
        %parallel_loop3A_366 = arith.constant 19 : i32
        %parallel_loop3A_367 = vector.broadcast %parallel_loop3A_366 : i32 to vector<16xi32>
        %parallel_loop3A_368 = arith.minsi %parallel_loop3A_365, %parallel_loop3A_367 : vector<16xi32>
        %parallel_loop3A_369 = vector.broadcast %scan3A_23 : f32 to vector<16xf32>
        %parallel_loop3A_370 = arith.subf %parallel_loop3A_350, %parallel_loop3A_369 : vector<16xf32>
        %parallel_loop3A_371 = vector.broadcast %scan3A_24 : f32 to vector<16xf32>
        %parallel_loop3A_372 = arith.divf %parallel_loop3A_370, %parallel_loop3A_371 : vector<16xf32>
        %parallel_loop3A_373 = arith.fptosi %parallel_loop3A_372 : vector<16xf32> to vector<16xi32>
        %parallel_loop3A_374 = arith.constant 15 : i32
        %parallel_loop3A_375 = vector.broadcast %parallel_loop3A_374 : i32 to vector<16xi32>
        %parallel_loop3A_376 = arith.minsi %parallel_loop3A_373, %parallel_loop3A_375 : vector<16xi32>
        %parallel_loop3A_377 = arith.constant 320 : i32
        %parallel_loop3A_378 = vector.broadcast %parallel_loop3A_377 : i32 to vector<16xi32>
        %parallel_loop3A_379 = arith.muli %parallel_loop3A_360, %parallel_loop3A_378 : vector<16xi32>
        %parallel_loop3A_380 = arith.constant 16 : i32
        %parallel_loop3A_381 = vector.broadcast %parallel_loop3A_380 : i32 to vector<16xi32>
        %parallel_loop3A_382 = arith.muli %parallel_loop3A_368, %parallel_loop3A_381 : vector<16xi32>
        %parallel_loop3A_383 = arith.addi %parallel_loop3A_379, %parallel_loop3A_382 : vector<16xi32>
        %parallel_loop3A_384 = arith.addi %parallel_loop3A_383, %parallel_loop3A_376 : vector<16xi32>
        tpu.vector_store_idx %arg9[%parallel_loop3A_384], %parallel_loop3A_352 {add = true} : memref<28800xf32, #tpu.memory_space<vmem>>[vector<16xi32>], vector<16xf32>,
      } {sc.loop_unroll_factor = 4 : i64, sc.parallel_access}
    }
    %scan3A_29 = arith.constant 8 : i32
    %add3A_30 = arith.constant 915 : i32
    %add3A_31 = arith.addi %add3A_4, %add3A_30 : i32
    %mul3A_32 = arith.constant 384 : i32
    %mul3A_33 = arith.muli %add3A_31, %mul3A_32 : i32
    %dma_wait3A = tpu.memref_slice %arg2[%mul3A_33] : memref<12000000xf32, #tpu.memory_space<hbm>> -> memref<23424xf32, #tpu.memory_space<hbm>>
    %dma_wait3A_34 = tpu.memref_slice %arg2[%mul3A_33] : memref<12000000xf32, #tpu.memory_space<hbm>> -> memref<23424xf32, #tpu.memory_space<hbm>>
    tpu.wait_dma2 semaphore(%arg14 : memref<!tpu.dma_semaphore, #tpu.memory_space<semaphore_mem>>) src(%dma_wait3A_34 : memref<23424xf32, #tpu.memory_space<hbm>>) dst(%arg5 : memref<23424xf32, #tpu.memory_space<vmem>>)
    %mul3A_35 = arith.constant 128 : i32
    %mul3A_36 = arith.muli %add3A_31, %mul3A_35 : i32
    %dma_wait3A_37 = tpu.memref_slice %arg3[%mul3A_36] : memref<4000000xf32, #tpu.memory_space<hbm>> -> memref<7808xf32, #tpu.memory_space<hbm>>
    %dma_wait3A_38 = tpu.memref_slice %arg3[%mul3A_36] : memref<4000000xf32, #tpu.memory_space<hbm>> -> memref<7808xf32, #tpu.memory_space<hbm>>
    tpu.wait_dma2 semaphore(%arg14 : memref<!tpu.dma_semaphore, #tpu.memory_space<semaphore_mem>>) src(%dma_wait3A_38 : memref<7808xf32, #tpu.memory_space<hbm>>) dst(%arg7 : memref<7808xf32, #tpu.memory_space<vmem>>)
    %lt3A = arith.constant 18 : i32
    %lt3A_39 = arith.cmpi slt, %add3A, %lt3A : i32
    %convert_element_type3A = arith.extui %lt3A_39 : i1 to i32
    %cond3A = arith.constant -9.000000e+01 : f32
    %cond3A_40 = arith.constant 2.000000e+00 : f32
    %cond3A_41 = arith.constant -1.200000e+01 : f32
    %cond3A_42 = arith.constant 1.200000e+00 : f32
    %cond3A_43 = arith.constant 1.000000e+01 : f32
    %cond3A_44 = arith.constant 1.875000e-01 : f32
    %cond3A_45 = arith.constant 0 : i32
    %cond3A_46 = arith.cmpi ne, %convert_element_type3A, %cond3A_45 : i32
    scf.if %cond3A_46 {
      %add3A_274 = arith.constant 976 : i32
      %add3A_275 = arith.addi %add3A_4, %add3A_274 : i32
      %mul3A_276 = arith.constant 384 : i32
      %mul3A_277 = arith.muli %add3A_275, %mul3A_276 : i32
      "tpu.region"() ({
        %run_scoped3A_597 = tpu.sem_alloc : memref<!tpu.dma_semaphore, #tpu.memory_space<semaphore_mem>>
        %dma_start3A_598 = arith.constant 0 : i32
        %dma_start3A_599 = tpu.memref_slice %arg5[%dma_start3A_598] : memref<23424xf32, #tpu.memory_space<vmem>> -> memref<384xf32, #tpu.memory_space<vmem>>
        %dma_start3A_600 = tpu.memref_slice %arg2[%mul3A_277] : memref<12000000xf32, #tpu.memory_space<hbm>> -> memref<384xf32, #tpu.memory_space<hbm>>
        %dma_start3A_601 = arith.constant 0 : i32
        %dma_start3A_602 = tpu.memref_slice %arg5[%dma_start3A_601] : memref<23424xf32, #tpu.memory_space<vmem>> -> memref<384xf32, #tpu.memory_space<vmem>>
        %dma_start3A_603 = tpu.memref_slice %arg2[%mul3A_277] : memref<12000000xf32, #tpu.memory_space<hbm>> -> memref<384xf32, #tpu.memory_space<hbm>>
        tpu.enqueue_dma source(%dma_start3A_603 : memref<384xf32, #tpu.memory_space<hbm>>) target(%dma_start3A_602 : memref<384xf32, #tpu.memory_space<vmem>>) target_semaphore(%run_scoped3A_597 : memref<!tpu.dma_semaphore, #tpu.memory_space<semaphore_mem>>)
        %dma_wait3A_604 = arith.constant 0 : i32
        %dma_wait3A_605 = tpu.memref_slice %arg5[%dma_wait3A_604] : memref<23424xf32, #tpu.memory_space<vmem>> -> memref<384xf32, #tpu.memory_space<vmem>>
        %dma_wait3A_606 = tpu.memref_slice %arg2[%mul3A_277] : memref<12000000xf32, #tpu.memory_space<hbm>> -> memref<384xf32, #tpu.memory_space<hbm>>
        %dma_wait3A_607 = arith.constant 0 : i32
        %dma_wait3A_608 = tpu.memref_slice %arg5[%dma_wait3A_607] : memref<23424xf32, #tpu.memory_space<vmem>> -> memref<384xf32, #tpu.memory_space<vmem>>
        %dma_wait3A_609 = tpu.memref_slice %arg2[%mul3A_277] : memref<12000000xf32, #tpu.memory_space<hbm>> -> memref<384xf32, #tpu.memory_space<hbm>>
        tpu.wait_dma2 semaphore(%run_scoped3A_597 : memref<!tpu.dma_semaphore, #tpu.memory_space<semaphore_mem>>) src(%dma_wait3A_609 : memref<384xf32, #tpu.memory_space<hbm>>) dst(%dma_wait3A_608 : memref<384xf32, #tpu.memory_space<vmem>>)
        tpu.yield
      }) : () -> ()
      %mul3A_278 = arith.constant 128 : i32
      %mul3A_279 = arith.muli %add3A_275, %mul3A_278 : i32
      "tpu.region"() ({
        %run_scoped3A_597 = tpu.sem_alloc : memref<!tpu.dma_semaphore, #tpu.memory_space<semaphore_mem>>
        %dma_start3A_598 = arith.constant 0 : i32
        %dma_start3A_599 = tpu.memref_slice %arg7[%dma_start3A_598] : memref<7808xf32, #tpu.memory_space<vmem>> -> memref<128xf32, #tpu.memory_space<vmem>>
        %dma_start3A_600 = tpu.memref_slice %arg3[%mul3A_279] : memref<4000000xf32, #tpu.memory_space<hbm>> -> memref<128xf32, #tpu.memory_space<hbm>>
        %dma_start3A_601 = arith.constant 0 : i32
        %dma_start3A_602 = tpu.memref_slice %arg7[%dma_start3A_601] : memref<7808xf32, #tpu.memory_space<vmem>> -> memref<128xf32, #tpu.memory_space<vmem>>
        %dma_start3A_603 = tpu.memref_slice %arg3[%mul3A_279] : memref<4000000xf32, #tpu.memory_space<hbm>> -> memref<128xf32, #tpu.memory_space<hbm>>
        tpu.enqueue_dma source(%dma_start3A_603 : memref<128xf32, #tpu.memory_space<hbm>>) target(%dma_start3A_602 : memref<128xf32, #tpu.memory_space<vmem>>) target_semaphore(%run_scoped3A_597 : memref<!tpu.dma_semaphore, #tpu.memory_space<semaphore_mem>>)
        %dma_wait3A_604 = arith.constant 0 : i32
        %dma_wait3A_605 = tpu.memref_slice %arg7[%dma_wait3A_604] : memref<7808xf32, #tpu.memory_space<vmem>> -> memref<128xf32, #tpu.memory_space<vmem>>
        %dma_wait3A_606 = tpu.memref_slice %arg3[%mul3A_279] : memref<4000000xf32, #tpu.memory_space<hbm>> -> memref<128xf32, #tpu.memory_space<hbm>>
        %dma_wait3A_607 = arith.constant 0 : i32
        %dma_wait3A_608 = tpu.memref_slice %arg7[%dma_wait3A_607] : memref<7808xf32, #tpu.memory_space<vmem>> -> memref<128xf32, #tpu.memory_space<vmem>>
        %dma_wait3A_609 = tpu.memref_slice %arg3[%mul3A_279] : memref<4000000xf32, #tpu.memory_space<hbm>> -> memref<128xf32, #tpu.memory_space<hbm>>
        tpu.wait_dma2 semaphore(%run_scoped3A_597 : memref<!tpu.dma_semaphore, #tpu.memory_space<semaphore_mem>>) src(%dma_wait3A_609 : memref<128xf32, #tpu.memory_space<hbm>>) dst(%dma_wait3A_608 : memref<128xf32, #tpu.memory_space<vmem>>)
        tpu.yield
      }) : () -> ()
      %get3A = arith.constant 0 : index
      %get3A_280 = tpu.vector_load %arg5[%get3A] {strides = array<i32>} : memref<23424xf32, #tpu.memory_space<vmem>>, vector<16xf32>,
      %get3A_281 = arith.constant 128 : index
      %get3A_282 = tpu.vector_load %arg5[%get3A_281] {strides = array<i32>} : memref<23424xf32, #tpu.memory_space<vmem>>, vector<16xf32>,
      %get3A_283 = arith.constant 256 : index
      %get3A_284 = tpu.vector_load %arg5[%get3A_283] {strides = array<i32>} : memref<23424xf32, #tpu.memory_space<vmem>>, vector<16xf32>,
      %get3A_285 = arith.constant 0 : index
      %get3A_286 = tpu.vector_load %arg7[%get3A_285] {strides = array<i32>} : memref<7808xf32, #tpu.memory_space<vmem>>, vector<16xf32>,
      %sub3A = vector.broadcast %cond3A : f32 to vector<16xf32>
      %sub3A_287 = arith.subf %get3A_280, %sub3A : vector<16xf32>
      %div3A = vector.broadcast %cond3A_40 : f32 to vector<16xf32>
      %div3A_288 = arith.divf %sub3A_287, %div3A : vector<16xf32>
      %convert_element_type3A_289 = arith.fptosi %div3A_288 : vector<16xf32> to vector<16xi32>
      %min3A_290 = arith.constant 89 : i32
      %min3A_291 = vector.broadcast %min3A_290 : i32 to vector<16xi32>
      %min3A_292 = arith.minsi %convert_element_type3A_289, %min3A_291 : vector<16xi32>
      %sub3A_293 = vector.broadcast %cond3A_41 : f32 to vector<16xf32>
      %sub3A_294 = arith.subf %get3A_282, %sub3A_293 : vector<16xf32>
      %div3A_295 = vector.broadcast %cond3A_42 : f32 to vector<16xf32>
      %div3A_296 = arith.divf %sub3A_294, %div3A_295 : vector<16xf32>
      %convert_element_type3A_297 = arith.fptosi %div3A_296 : vector<16xf32> to vector<16xi32>
      %min3A_298 = arith.constant 19 : i32
      %min3A_299 = vector.broadcast %min3A_298 : i32 to vector<16xi32>
      %min3A_300 = arith.minsi %convert_element_type3A_297, %min3A_299 : vector<16xi32>
      %sub3A_301 = vector.broadcast %cond3A_43 : f32 to vector<16xf32>
      %sub3A_302 = arith.subf %get3A_284, %sub3A_301 : vector<16xf32>
      %div3A_303 = vector.broadcast %cond3A_44 : f32 to vector<16xf32>
      %div3A_304 = arith.divf %sub3A_302, %div3A_303 : vector<16xf32>
      %convert_element_type3A_305 = arith.fptosi %div3A_304 : vector<16xf32> to vector<16xi32>
      %min3A_306 = arith.constant 15 : i32
      %min3A_307 = vector.broadcast %min3A_306 : i32 to vector<16xi32>
      %min3A_308 = arith.minsi %convert_element_type3A_305, %min3A_307 : vector<16xi32>
      %mul3A_309 = arith.constant 320 : i32
      %mul3A_310 = vector.broadcast %mul3A_309 : i32 to vector<16xi32>
      %mul3A_311 = arith.muli %min3A_292, %mul3A_310 : vector<16xi32>
      %mul3A_312 = arith.constant 16 : i32
      %mul3A_313 = vector.broadcast %mul3A_312 : i32 to vector<16xi32>
      %mul3A_314 = arith.muli %min3A_300, %mul3A_313 : vector<16xi32>
      %add3A_315 = arith.addi %mul3A_311, %mul3A_314 : vector<16xi32>
      %add3A_316 = arith.addi %add3A_315, %min3A_308 : vector<16xi32>
      tpu.vector_store_idx %arg9[%add3A_316], %get3A_286 {add = true} : memref<28800xf32, #tpu.memory_space<vmem>>[vector<16xi32>], vector<16xf32>,
      %get3A_317 = arith.constant 16 : index
      %get3A_318 = tpu.vector_load %arg5[%get3A_317] {strides = array<i32>} : memref<23424xf32, #tpu.memory_space<vmem>>, vector<16xf32>,
      %get3A_319 = arith.constant 144 : index
      %get3A_320 = tpu.vector_load %arg5[%get3A_319] {strides = array<i32>} : memref<23424xf32, #tpu.memory_space<vmem>>, vector<16xf32>,
      %get3A_321 = arith.constant 272 : index
      %get3A_322 = tpu.vector_load %arg5[%get3A_321] {strides = array<i32>} : memref<23424xf32, #tpu.memory_space<vmem>>, vector<16xf32>,
      %get3A_323 = arith.constant 16 : index
      %get3A_324 = tpu.vector_load %arg7[%get3A_323] {strides = array<i32>} : memref<7808xf32, #tpu.memory_space<vmem>>, vector<16xf32>,
      %sub3A_325 = vector.broadcast %cond3A : f32 to vector<16xf32>
      %sub3A_326 = arith.subf %get3A_318, %sub3A_325 : vector<16xf32>
      %div3A_327 = vector.broadcast %cond3A_40 : f32 to vector<16xf32>
      %div3A_328 = arith.divf %sub3A_326, %div3A_327 : vector<16xf32>
      %convert_element_type3A_329 = arith.fptosi %div3A_328 : vector<16xf32> to vector<16xi32>
      %min3A_330 = arith.constant 89 : i32
      %min3A_331 = vector.broadcast %min3A_330 : i32 to vector<16xi32>
      %min3A_332 = arith.minsi %convert_element_type3A_329, %min3A_331 : vector<16xi32>
      %sub3A_333 = vector.broadcast %cond3A_41 : f32 to vector<16xf32>
      %sub3A_334 = arith.subf %get3A_320, %sub3A_333 : vector<16xf32>
      %div3A_335 = vector.broadcast %cond3A_42 : f32 to vector<16xf32>
      %div3A_336 = arith.divf %sub3A_334, %div3A_335 : vector<16xf32>
      %convert_element_type3A_337 = arith.fptosi %div3A_336 : vector<16xf32> to vector<16xi32>
      %min3A_338 = arith.constant 19 : i32
      %min3A_339 = vector.broadcast %min3A_338 : i32 to vector<16xi32>
      %min3A_340 = arith.minsi %convert_element_type3A_337, %min3A_339 : vector<16xi32>
      %sub3A_341 = vector.broadcast %cond3A_43 : f32 to vector<16xf32>
      %sub3A_342 = arith.subf %get3A_322, %sub3A_341 : vector<16xf32>
      %div3A_343 = vector.broadcast %cond3A_44 : f32 to vector<16xf32>
      %div3A_344 = arith.divf %sub3A_342, %div3A_343 : vector<16xf32>
      %convert_element_type3A_345 = arith.fptosi %div3A_344 : vector<16xf32> to vector<16xi32>
      %min3A_346 = arith.constant 15 : i32
      %min3A_347 = vector.broadcast %min3A_346 : i32 to vector<16xi32>
      %min3A_348 = arith.minsi %convert_element_type3A_345, %min3A_347 : vector<16xi32>
      %mul3A_349 = arith.constant 320 : i32
      %mul3A_350 = vector.broadcast %mul3A_349 : i32 to vector<16xi32>
      %mul3A_351 = arith.muli %min3A_332, %mul3A_350 : vector<16xi32>
      %mul3A_352 = arith.constant 16 : i32
      %mul3A_353 = vector.broadcast %mul3A_352 : i32 to vector<16xi32>
      %mul3A_354 = arith.muli %min3A_340, %mul3A_353 : vector<16xi32>
      %add3A_355 = arith.addi %mul3A_351, %mul3A_354 : vector<16xi32>
      %add3A_356 = arith.addi %add3A_355, %min3A_348 : vector<16xi32>
      tpu.vector_store_idx %arg9[%add3A_356], %get3A_324 {add = true} : memref<28800xf32, #tpu.memory_space<vmem>>[vector<16xi32>], vector<16xf32>,
      %get3A_357 = arith.constant 32 : index
      %get3A_358 = tpu.vector_load %arg5[%get3A_357] {strides = array<i32>} : memref<23424xf32, #tpu.memory_space<vmem>>, vector<16xf32>,
      %get3A_359 = arith.constant 160 : index
      %get3A_360 = tpu.vector_load %arg5[%get3A_359] {strides = array<i32>} : memref<23424xf32, #tpu.memory_space<vmem>>, vector<16xf32>,
      %get3A_361 = arith.constant 288 : index
      %get3A_362 = tpu.vector_load %arg5[%get3A_361] {strides = array<i32>} : memref<23424xf32, #tpu.memory_space<vmem>>, vector<16xf32>,
      %get3A_363 = arith.constant 32 : index
      %get3A_364 = tpu.vector_load %arg7[%get3A_363] {strides = array<i32>} : memref<7808xf32, #tpu.memory_space<vmem>>, vector<16xf32>,
      %sub3A_365 = vector.broadcast %cond3A : f32 to vector<16xf32>
      %sub3A_366 = arith.subf %get3A_358, %sub3A_365 : vector<16xf32>
      %div3A_367 = vector.broadcast %cond3A_40 : f32 to vector<16xf32>
      %div3A_368 = arith.divf %sub3A_366, %div3A_367 : vector<16xf32>
      %convert_element_type3A_369 = arith.fptosi %div3A_368 : vector<16xf32> to vector<16xi32>
      %min3A_370 = arith.constant 89 : i32
      %min3A_371 = vector.broadcast %min3A_370 : i32 to vector<16xi32>
      %min3A_372 = arith.minsi %convert_element_type3A_369, %min3A_371 : vector<16xi32>
      %sub3A_373 = vector.broadcast %cond3A_41 : f32 to vector<16xf32>
      %sub3A_374 = arith.subf %get3A_360, %sub3A_373 : vector<16xf32>
      %div3A_375 = vector.broadcast %cond3A_42 : f32 to vector<16xf32>
      %div3A_376 = arith.divf %sub3A_374, %div3A_375 : vector<16xf32>
      %convert_element_type3A_377 = arith.fptosi %div3A_376 : vector<16xf32> to vector<16xi32>
      %min3A_378 = arith.constant 19 : i32
      %min3A_379 = vector.broadcast %min3A_378 : i32 to vector<16xi32>
      %min3A_380 = arith.minsi %convert_element_type3A_377, %min3A_379 : vector<16xi32>
      %sub3A_381 = vector.broadcast %cond3A_43 : f32 to vector<16xf32>
      %sub3A_382 = arith.subf %get3A_362, %sub3A_381 : vector<16xf32>
      %div3A_383 = vector.broadcast %cond3A_44 : f32 to vector<16xf32>
      %div3A_384 = arith.divf %sub3A_382, %div3A_383 : vector<16xf32>
      %convert_element_type3A_385 = arith.fptosi %div3A_384 : vector<16xf32> to vector<16xi32>
      %min3A_386 = arith.constant 15 : i32
      %min3A_387 = vector.broadcast %min3A_386 : i32 to vector<16xi32>
      %min3A_388 = arith.minsi %convert_element_type3A_385, %min3A_387 : vector<16xi32>
      %mul3A_389 = arith.constant 320 : i32
      %mul3A_390 = vector.broadcast %mul3A_389 : i32 to vector<16xi32>
      %mul3A_391 = arith.muli %min3A_372, %mul3A_390 : vector<16xi32>
      %mul3A_392 = arith.constant 16 : i32
      %mul3A_393 = vector.broadcast %mul3A_392 : i32 to vector<16xi32>
      %mul3A_394 = arith.muli %min3A_380, %mul3A_393 : vector<16xi32>
      %add3A_395 = arith.addi %mul3A_391, %mul3A_394 : vector<16xi32>
      %add3A_396 = arith.addi %add3A_395, %min3A_388 : vector<16xi32>
      tpu.vector_store_idx %arg9[%add3A_396], %get3A_364 {add = true} : memref<28800xf32, #tpu.memory_space<vmem>>[vector<16xi32>], vector<16xf32>,
      %get3A_397 = arith.constant 48 : index
      %get3A_398 = tpu.vector_load %arg5[%get3A_397] {strides = array<i32>} : memref<23424xf32, #tpu.memory_space<vmem>>, vector<16xf32>,
      %get3A_399 = arith.constant 176 : index
      %get3A_400 = tpu.vector_load %arg5[%get3A_399] {strides = array<i32>} : memref<23424xf32, #tpu.memory_space<vmem>>, vector<16xf32>,
      %get3A_401 = arith.constant 304 : index
      %get3A_402 = tpu.vector_load %arg5[%get3A_401] {strides = array<i32>} : memref<23424xf32, #tpu.memory_space<vmem>>, vector<16xf32>,
      %get3A_403 = arith.constant 48 : index
      %get3A_404 = tpu.vector_load %arg7[%get3A_403] {strides = array<i32>} : memref<7808xf32, #tpu.memory_space<vmem>>, vector<16xf32>,
      %sub3A_405 = vector.broadcast %cond3A : f32 to vector<16xf32>
      %sub3A_406 = arith.subf %get3A_398, %sub3A_405 : vector<16xf32>
      %div3A_407 = vector.broadcast %cond3A_40 : f32 to vector<16xf32>
      %div3A_408 = arith.divf %sub3A_406, %div3A_407 : vector<16xf32>
      %convert_element_type3A_409 = arith.fptosi %div3A_408 : vector<16xf32> to vector<16xi32>
      %min3A_410 = arith.constant 89 : i32
      %min3A_411 = vector.broadcast %min3A_410 : i32 to vector<16xi32>
      %min3A_412 = arith.minsi %convert_element_type3A_409, %min3A_411 : vector<16xi32>
      %sub3A_413 = vector.broadcast %cond3A_41 : f32 to vector<16xf32>
      %sub3A_414 = arith.subf %get3A_400, %sub3A_413 : vector<16xf32>
      %div3A_415 = vector.broadcast %cond3A_42 : f32 to vector<16xf32>
      %div3A_416 = arith.divf %sub3A_414, %div3A_415 : vector<16xf32>
      %convert_element_type3A_417 = arith.fptosi %div3A_416 : vector<16xf32> to vector<16xi32>
      %min3A_418 = arith.constant 19 : i32
      %min3A_419 = vector.broadcast %min3A_418 : i32 to vector<16xi32>
      %min3A_420 = arith.minsi %convert_element_type3A_417, %min3A_419 : vector<16xi32>
      %sub3A_421 = vector.broadcast %cond3A_43 : f32 to vector<16xf32>
      %sub3A_422 = arith.subf %get3A_402, %sub3A_421 : vector<16xf32>
      %div3A_423 = vector.broadcast %cond3A_44 : f32 to vector<16xf32>
      %div3A_424 = arith.divf %sub3A_422, %div3A_423 : vector<16xf32>
      %convert_element_type3A_425 = arith.fptosi %div3A_424 : vector<16xf32> to vector<16xi32>
      %min3A_426 = arith.constant 15 : i32
      %min3A_427 = vector.broadcast %min3A_426 : i32 to vector<16xi32>
      %min3A_428 = arith.minsi %convert_element_type3A_425, %min3A_427 : vector<16xi32>
      %mul3A_429 = arith.constant 320 : i32
      %mul3A_430 = vector.broadcast %mul3A_429 : i32 to vector<16xi32>
      %mul3A_431 = arith.muli %min3A_412, %mul3A_430 : vector<16xi32>
      %mul3A_432 = arith.constant 16 : i32
      %mul3A_433 = vector.broadcast %mul3A_432 : i32 to vector<16xi32>
      %mul3A_434 = arith.muli %min3A_420, %mul3A_433 : vector<16xi32>
      %add3A_435 = arith.addi %mul3A_431, %mul3A_434 : vector<16xi32>
      %add3A_436 = arith.addi %add3A_435, %min3A_428 : vector<16xi32>
      tpu.vector_store_idx %arg9[%add3A_436], %get3A_404 {add = true} : memref<28800xf32, #tpu.memory_space<vmem>>[vector<16xi32>], vector<16xf32>,
      %get3A_437 = arith.constant 64 : index
      %get3A_438 = tpu.vector_load %arg5[%get3A_437] {strides = array<i32>} : memref<23424xf32, #tpu.memory_space<vmem>>, vector<16xf32>,
      %get3A_439 = arith.constant 192 : index
      %get3A_440 = tpu.vector_load %arg5[%get3A_439] {strides = array<i32>} : memref<23424xf32, #tpu.memory_space<vmem>>, vector<16xf32>,
      %get3A_441 = arith.constant 320 : index
      %get3A_442 = tpu.vector_load %arg5[%get3A_441] {strides = array<i32>} : memref<23424xf32, #tpu.memory_space<vmem>>, vector<16xf32>,
      %get3A_443 = arith.constant 64 : index
      %get3A_444 = tpu.vector_load %arg7[%get3A_443] {strides = array<i32>} : memref<7808xf32, #tpu.memory_space<vmem>>, vector<16xf32>,
      %sub3A_445 = vector.broadcast %cond3A : f32 to vector<16xf32>
      %sub3A_446 = arith.subf %get3A_438, %sub3A_445 : vector<16xf32>
      %div3A_447 = vector.broadcast %cond3A_40 : f32 to vector<16xf32>
      %div3A_448 = arith.divf %sub3A_446, %div3A_447 : vector<16xf32>
      %convert_element_type3A_449 = arith.fptosi %div3A_448 : vector<16xf32> to vector<16xi32>
      %min3A_450 = arith.constant 89 : i32
      %min3A_451 = vector.broadcast %min3A_450 : i32 to vector<16xi32>
      %min3A_452 = arith.minsi %convert_element_type3A_449, %min3A_451 : vector<16xi32>
      %sub3A_453 = vector.broadcast %cond3A_41 : f32 to vector<16xf32>
      %sub3A_454 = arith.subf %get3A_440, %sub3A_453 : vector<16xf32>
      %div3A_455 = vector.broadcast %cond3A_42 : f32 to vector<16xf32>
      %div3A_456 = arith.divf %sub3A_454, %div3A_455 : vector<16xf32>
      %convert_element_type3A_457 = arith.fptosi %div3A_456 : vector<16xf32> to vector<16xi32>
      %min3A_458 = arith.constant 19 : i32
      %min3A_459 = vector.broadcast %min3A_458 : i32 to vector<16xi32>
      %min3A_460 = arith.minsi %convert_element_type3A_457, %min3A_459 : vector<16xi32>
      %sub3A_461 = vector.broadcast %cond3A_43 : f32 to vector<16xf32>
      %sub3A_462 = arith.subf %get3A_442, %sub3A_461 : vector<16xf32>
      %div3A_463 = vector.broadcast %cond3A_44 : f32 to vector<16xf32>
      %div3A_464 = arith.divf %sub3A_462, %div3A_463 : vector<16xf32>
      %convert_element_type3A_465 = arith.fptosi %div3A_464 : vector<16xf32> to vector<16xi32>
      %min3A_466 = arith.constant 15 : i32
      %min3A_467 = vector.broadcast %min3A_466 : i32 to vector<16xi32>
      %min3A_468 = arith.minsi %convert_element_type3A_465, %min3A_467 : vector<16xi32>
      %mul3A_469 = arith.constant 320 : i32
      %mul3A_470 = vector.broadcast %mul3A_469 : i32 to vector<16xi32>
      %mul3A_471 = arith.muli %min3A_452, %mul3A_470 : vector<16xi32>
      %mul3A_472 = arith.constant 16 : i32
      %mul3A_473 = vector.broadcast %mul3A_472 : i32 to vector<16xi32>
      %mul3A_474 = arith.muli %min3A_460, %mul3A_473 : vector<16xi32>
      %add3A_475 = arith.addi %mul3A_471, %mul3A_474 : vector<16xi32>
      %add3A_476 = arith.addi %add3A_475, %min3A_468 : vector<16xi32>
      tpu.vector_store_idx %arg9[%add3A_476], %get3A_444 {add = true} : memref<28800xf32, #tpu.memory_space<vmem>>[vector<16xi32>], vector<16xf32>,
      %get3A_477 = arith.constant 80 : index
      %get3A_478 = tpu.vector_load %arg5[%get3A_477] {strides = array<i32>} : memref<23424xf32, #tpu.memory_space<vmem>>, vector<16xf32>,
      %get3A_479 = arith.constant 208 : index
      %get3A_480 = tpu.vector_load %arg5[%get3A_479] {strides = array<i32>} : memref<23424xf32, #tpu.memory_space<vmem>>, vector<16xf32>,
      %get3A_481 = arith.constant 336 : index
      %get3A_482 = tpu.vector_load %arg5[%get3A_481] {strides = array<i32>} : memref<23424xf32, #tpu.memory_space<vmem>>, vector<16xf32>,
      %get3A_483 = arith.constant 80 : index
      %get3A_484 = tpu.vector_load %arg7[%get3A_483] {strides = array<i32>} : memref<7808xf32, #tpu.memory_space<vmem>>, vector<16xf32>,
      %sub3A_485 = vector.broadcast %cond3A : f32 to vector<16xf32>
      %sub3A_486 = arith.subf %get3A_478, %sub3A_485 : vector<16xf32>
      %div3A_487 = vector.broadcast %cond3A_40 : f32 to vector<16xf32>
      %div3A_488 = arith.divf %sub3A_486, %div3A_487 : vector<16xf32>
      %convert_element_type3A_489 = arith.fptosi %div3A_488 : vector<16xf32> to vector<16xi32>
      %min3A_490 = arith.constant 89 : i32
      %min3A_491 = vector.broadcast %min3A_490 : i32 to vector<16xi32>
      %min3A_492 = arith.minsi %convert_element_type3A_489, %min3A_491 : vector<16xi32>
      %sub3A_493 = vector.broadcast %cond3A_41 : f32 to vector<16xf32>
      %sub3A_494 = arith.subf %get3A_480, %sub3A_493 : vector<16xf32>
      %div3A_495 = vector.broadcast %cond3A_42 : f32 to vector<16xf32>
      %div3A_496 = arith.divf %sub3A_494, %div3A_495 : vector<16xf32>
      %convert_element_type3A_497 = arith.fptosi %div3A_496 : vector<16xf32> to vector<16xi32>
      %min3A_498 = arith.constant 19 : i32
      %min3A_499 = vector.broadcast %min3A_498 : i32 to vector<16xi32>
      %min3A_500 = arith.minsi %convert_element_type3A_497, %min3A_499 : vector<16xi32>
      %sub3A_501 = vector.broadcast %cond3A_43 : f32 to vector<16xf32>
      %sub3A_502 = arith.subf %get3A_482, %sub3A_501 : vector<16xf32>
      %div3A_503 = vector.broadcast %cond3A_44 : f32 to vector<16xf32>
      %div3A_504 = arith.divf %sub3A_502, %div3A_503 : vector<16xf32>
      %convert_element_type3A_505 = arith.fptosi %div3A_504 : vector<16xf32> to vector<16xi32>
      %min3A_506 = arith.constant 15 : i32
      %min3A_507 = vector.broadcast %min3A_506 : i32 to vector<16xi32>
      %min3A_508 = arith.minsi %convert_element_type3A_505, %min3A_507 : vector<16xi32>
      %mul3A_509 = arith.constant 320 : i32
      %mul3A_510 = vector.broadcast %mul3A_509 : i32 to vector<16xi32>
      %mul3A_511 = arith.muli %min3A_492, %mul3A_510 : vector<16xi32>
      %mul3A_512 = arith.constant 16 : i32
      %mul3A_513 = vector.broadcast %mul3A_512 : i32 to vector<16xi32>
      %mul3A_514 = arith.muli %min3A_500, %mul3A_513 : vector<16xi32>
      %add3A_515 = arith.addi %mul3A_511, %mul3A_514 : vector<16xi32>
      %add3A_516 = arith.addi %add3A_515, %min3A_508 : vector<16xi32>
      tpu.vector_store_idx %arg9[%add3A_516], %get3A_484 {add = true} : memref<28800xf32, #tpu.memory_space<vmem>>[vector<16xi32>], vector<16xf32>,
      %get3A_517 = arith.constant 96 : index
      %get3A_518 = tpu.vector_load %arg5[%get3A_517] {strides = array<i32>} : memref<23424xf32, #tpu.memory_space<vmem>>, vector<16xf32>,
      %get3A_519 = arith.constant 224 : index
      %get3A_520 = tpu.vector_load %arg5[%get3A_519] {strides = array<i32>} : memref<23424xf32, #tpu.memory_space<vmem>>, vector<16xf32>,
      %get3A_521 = arith.constant 352 : index
      %get3A_522 = tpu.vector_load %arg5[%get3A_521] {strides = array<i32>} : memref<23424xf32, #tpu.memory_space<vmem>>, vector<16xf32>,
      %get3A_523 = arith.constant 96 : index
      %get3A_524 = tpu.vector_load %arg7[%get3A_523] {strides = array<i32>} : memref<7808xf32, #tpu.memory_space<vmem>>, vector<16xf32>,
      %sub3A_525 = vector.broadcast %cond3A : f32 to vector<16xf32>
      %sub3A_526 = arith.subf %get3A_518, %sub3A_525 : vector<16xf32>
      %div3A_527 = vector.broadcast %cond3A_40 : f32 to vector<16xf32>
      %div3A_528 = arith.divf %sub3A_526, %div3A_527 : vector<16xf32>
      %convert_element_type3A_529 = arith.fptosi %div3A_528 : vector<16xf32> to vector<16xi32>
      %min3A_530 = arith.constant 89 : i32
      %min3A_531 = vector.broadcast %min3A_530 : i32 to vector<16xi32>
      %min3A_532 = arith.minsi %convert_element_type3A_529, %min3A_531 : vector<16xi32>
      %sub3A_533 = vector.broadcast %cond3A_41 : f32 to vector<16xf32>
      %sub3A_534 = arith.subf %get3A_520, %sub3A_533 : vector<16xf32>
      %div3A_535 = vector.broadcast %cond3A_42 : f32 to vector<16xf32>
      %div3A_536 = arith.divf %sub3A_534, %div3A_535 : vector<16xf32>
      %convert_element_type3A_537 = arith.fptosi %div3A_536 : vector<16xf32> to vector<16xi32>
      %min3A_538 = arith.constant 19 : i32
      %min3A_539 = vector.broadcast %min3A_538 : i32 to vector<16xi32>
      %min3A_540 = arith.minsi %convert_element_type3A_537, %min3A_539 : vector<16xi32>
      %sub3A_541 = vector.broadcast %cond3A_43 : f32 to vector<16xf32>
      %sub3A_542 = arith.subf %get3A_522, %sub3A_541 : vector<16xf32>
      %div3A_543 = vector.broadcast %cond3A_44 : f32 to vector<16xf32>
      %div3A_544 = arith.divf %sub3A_542, %div3A_543 : vector<16xf32>
      %convert_element_type3A_545 = arith.fptosi %div3A_544 : vector<16xf32> to vector<16xi32>
      %min3A_546 = arith.constant 15 : i32
      %min3A_547 = vector.broadcast %min3A_546 : i32 to vector<16xi32>
      %min3A_548 = arith.minsi %convert_element_type3A_545, %min3A_547 : vector<16xi32>
      %mul3A_549 = arith.constant 320 : i32
      %mul3A_550 = vector.broadcast %mul3A_549 : i32 to vector<16xi32>
      %mul3A_551 = arith.muli %min3A_532, %mul3A_550 : vector<16xi32>
      %mul3A_552 = arith.constant 16 : i32
      %mul3A_553 = vector.broadcast %mul3A_552 : i32 to vector<16xi32>
      %mul3A_554 = arith.muli %min3A_540, %mul3A_553 : vector<16xi32>
      %add3A_555 = arith.addi %mul3A_551, %mul3A_554 : vector<16xi32>
      %add3A_556 = arith.addi %add3A_555, %min3A_548 : vector<16xi32>
      tpu.vector_store_idx %arg9[%add3A_556], %get3A_524 {add = true} : memref<28800xf32, #tpu.memory_space<vmem>>[vector<16xi32>], vector<16xf32>,
      %get3A_557 = arith.constant 112 : index
      %get3A_558 = tpu.vector_load %arg5[%get3A_557] {strides = array<i32>} : memref<23424xf32, #tpu.memory_space<vmem>>, vector<16xf32>,
      %get3A_559 = arith.constant 240 : index
      %get3A_560 = tpu.vector_load %arg5[%get3A_559] {strides = array<i32>} : memref<23424xf32, #tpu.memory_space<vmem>>, vector<16xf32>,
      %get3A_561 = arith.constant 368 : index
      %get3A_562 = tpu.vector_load %arg5[%get3A_561] {strides = array<i32>} : memref<23424xf32, #tpu.memory_space<vmem>>, vector<16xf32>,
      %get3A_563 = arith.constant 112 : index
      %get3A_564 = tpu.vector_load %arg7[%get3A_563] {strides = array<i32>} : memref<7808xf32, #tpu.memory_space<vmem>>, vector<16xf32>,
      %sub3A_565 = vector.broadcast %cond3A : f32 to vector<16xf32>
      %sub3A_566 = arith.subf %get3A_558, %sub3A_565 : vector<16xf32>
      %div3A_567 = vector.broadcast %cond3A_40 : f32 to vector<16xf32>
      %div3A_568 = arith.divf %sub3A_566, %div3A_567 : vector<16xf32>
      %convert_element_type3A_569 = arith.fptosi %div3A_568 : vector<16xf32> to vector<16xi32>
      %min3A_570 = arith.constant 89 : i32
      %min3A_571 = vector.broadcast %min3A_570 : i32 to vector<16xi32>
      %min3A_572 = arith.minsi %convert_element_type3A_569, %min3A_571 : vector<16xi32>
      %sub3A_573 = vector.broadcast %cond3A_41 : f32 to vector<16xf32>
      %sub3A_574 = arith.subf %get3A_560, %sub3A_573 : vector<16xf32>
      %div3A_575 = vector.broadcast %cond3A_42 : f32 to vector<16xf32>
      %div3A_576 = arith.divf %sub3A_574, %div3A_575 : vector<16xf32>
      %convert_element_type3A_577 = arith.fptosi %div3A_576 : vector<16xf32> to vector<16xi32>
      %min3A_578 = arith.constant 19 : i32
      %min3A_579 = vector.broadcast %min3A_578 : i32 to vector<16xi32>
      %min3A_580 = arith.minsi %convert_element_type3A_577, %min3A_579 : vector<16xi32>
      %sub3A_581 = vector.broadcast %cond3A_43 : f32 to vector<16xf32>
      %sub3A_582 = arith.subf %get3A_562, %sub3A_581 : vector<16xf32>
      %div3A_583 = vector.broadcast %cond3A_44 : f32 to vector<16xf32>
      %div3A_584 = arith.divf %sub3A_582, %div3A_583 : vector<16xf32>
      %convert_element_type3A_585 = arith.fptosi %div3A_584 : vector<16xf32> to vector<16xi32>
      %min3A_586 = arith.constant 15 : i32
      %min3A_587 = vector.broadcast %min3A_586 : i32 to vector<16xi32>
      %min3A_588 = arith.minsi %convert_element_type3A_585, %min3A_587 : vector<16xi32>
      %mul3A_589 = arith.constant 320 : i32
      %mul3A_590 = vector.broadcast %mul3A_589 : i32 to vector<16xi32>
      %mul3A_591 = arith.muli %min3A_572, %mul3A_590 : vector<16xi32>
      %mul3A_592 = arith.constant 16 : i32
      %mul3A_593 = vector.broadcast %mul3A_592 : i32 to vector<16xi32>
      %mul3A_594 = arith.muli %min3A_580, %mul3A_593 : vector<16xi32>
      %add3A_595 = arith.addi %mul3A_591, %mul3A_594 : vector<16xi32>
      %add3A_596 = arith.addi %add3A_595, %min3A_588 : vector<16xi32>
      tpu.vector_store_idx %arg9[%add3A_596], %get3A_564 {add = true} : memref<28800xf32, #tpu.memory_space<vmem>>[vector<16xi32>], vector<16xf32>,
    } else {
    }
    "tpu.region"() ({
      %run_scoped3A_274 = tpu.sem_alloc : memref<!tpu.dma_semaphore, #tpu.memory_space<semaphore_mem>>
      %dma_start3A_275 = arith.constant 0 : i32
      %dma_start3A_276 = tpu.memref_slice %arg13[%arg1, %dma_start3A_275] : memref<16x28800xf32, #tpu.memory_space<vmem_shared>> -> memref<1x28800xf32, #tpu.memory_space<vmem_shared>>
      %dma_start3A_277 = tpu.memref_squeeze %dma_start3A_276 : memref<1x28800xf32, #tpu.memory_space<vmem_shared>> -> memref<28800xf32, #tpu.memory_space<vmem_shared>>
      %dma_start3A_278 = arith.constant 0 : i32
      %dma_start3A_279 = tpu.memref_slice %arg13[%arg1, %dma_start3A_278] : memref<16x28800xf32, #tpu.memory_space<vmem_shared>> -> memref<1x28800xf32, #tpu.memory_space<vmem_shared>>
      %dma_start3A_280 = tpu.memref_squeeze %dma_start3A_279 : memref<1x28800xf32, #tpu.memory_space<vmem_shared>> -> memref<28800xf32, #tpu.memory_space<vmem_shared>>
      tpu.enqueue_dma source(%arg9 : memref<28800xf32, #tpu.memory_space<vmem>>) target(%dma_start3A_280 : memref<28800xf32, #tpu.memory_space<vmem_shared>>) target_semaphore(%run_scoped3A_274 : memref<!tpu.dma_semaphore, #tpu.memory_space<semaphore_mem>>)
      %dma_wait3A_281 = arith.constant 0 : i32
      %dma_wait3A_282 = tpu.memref_slice %arg13[%arg1, %dma_wait3A_281] : memref<16x28800xf32, #tpu.memory_space<vmem_shared>> -> memref<1x28800xf32, #tpu.memory_space<vmem_shared>>
      %dma_wait3A_283 = tpu.memref_squeeze %dma_wait3A_282 : memref<1x28800xf32, #tpu.memory_space<vmem_shared>> -> memref<28800xf32, #tpu.memory_space<vmem_shared>>
      %dma_wait3A_284 = arith.constant 0 : i32
      %dma_wait3A_285 = tpu.memref_slice %arg13[%arg1, %dma_wait3A_284] : memref<16x28800xf32, #tpu.memory_space<vmem_shared>> -> memref<1x28800xf32, #tpu.memory_space<vmem_shared>>
      %dma_wait3A_286 = tpu.memref_squeeze %dma_wait3A_285 : memref<1x28800xf32, #tpu.memory_space<vmem_shared>> -> memref<28800xf32, #tpu.memory_space<vmem_shared>>
      tpu.wait_dma2 semaphore(%run_scoped3A_274 : memref<!tpu.dma_semaphore, #tpu.memory_space<semaphore_mem>>) src(%arg9 : memref<28800xf32, #tpu.memory_space<vmem>>) dst(%dma_wait3A_286 : memref<28800xf32, #tpu.memory_space<vmem_shared>>)
      tpu.yield
    }) : () -> ()
    %barrier3A = arith.constant 0 : index
    tpu.barrier barrier_id(%barrier3A)
    %mul3A_47 = arith.constant 1792 : i32
    %mul3A_48 = arith.muli %arg1, %mul3A_47 : i32
    %run_scoped3A = arith.constant 0 : i32
    "tpu.region"() ({
      %run_scoped3A_274 = tpu.sem_alloc : memref<!tpu.dma_semaphore, #tpu.memory_space<semaphore_mem>>
      %dma_start3A_275 = tpu.memref_slice %arg13[%run_scoped3A, %mul3A_48] : memref<16x28800xf32, #tpu.memory_space<vmem_shared>> -> memref<1x1920xf32, #tpu.memory_space<vmem_shared>>
      %dma_start3A_276 = tpu.memref_squeeze %dma_start3A_275 : memref<1x1920xf32, #tpu.memory_space<vmem_shared>> -> memref<1920xf32, #tpu.memory_space<vmem_shared>>
      %dma_start3A_277 = tpu.memref_slice %arg13[%run_scoped3A, %mul3A_48] : memref<16x28800xf32, #tpu.memory_space<vmem_shared>> -> memref<1x1920xf32, #tpu.memory_space<vmem_shared>>
      %dma_start3A_278 = tpu.memref_squeeze %dma_start3A_277 : memref<1x1920xf32, #tpu.memory_space<vmem_shared>> -> memref<1920xf32, #tpu.memory_space<vmem_shared>>
      tpu.enqueue_dma source(%dma_start3A_278 : memref<1920xf32, #tpu.memory_space<vmem_shared>>) target(%arg12 : memref<1920xf32, #tpu.memory_space<vmem>>) target_semaphore(%run_scoped3A_274 : memref<!tpu.dma_semaphore, #tpu.memory_space<semaphore_mem>>)
      %dma_wait3A_279 = tpu.memref_slice %arg13[%run_scoped3A, %mul3A_48] : memref<16x28800xf32, #tpu.memory_space<vmem_shared>> -> memref<1x1920xf32, #tpu.memory_space<vmem_shared>>
      %dma_wait3A_280 = tpu.memref_squeeze %dma_wait3A_279 : memref<1x1920xf32, #tpu.memory_space<vmem_shared>> -> memref<1920xf32, #tpu.memory_space<vmem_shared>>
      %dma_wait3A_281 = tpu.memref_slice %arg13[%run_scoped3A, %mul3A_48] : memref<16x28800xf32, #tpu.memory_space<vmem_shared>> -> memref<1x1920xf32, #tpu.memory_space<vmem_shared>>
      %dma_wait3A_282 = tpu.memref_squeeze %dma_wait3A_281 : memref<1x1920xf32, #tpu.memory_space<vmem_shared>> -> memref<1920xf32, #tpu.memory_space<vmem_shared>>
      tpu.wait_dma2 semaphore(%run_scoped3A_274 : memref<!tpu.dma_semaphore, #tpu.memory_space<semaphore_mem>>) src(%dma_wait3A_282 : memref<1920xf32, #tpu.memory_space<vmem_shared>>) dst(%arg12 : memref<1920xf32, #tpu.memory_space<vmem>>)
      tpu.yield
    }) : () -> ()
    %dma_start3A_49 = arith.constant 1 : i32
    %dma_start3A_50 = tpu.memref_slice %arg13[%dma_start3A_49, %mul3A_48] : memref<16x28800xf32, #tpu.memory_space<vmem_shared>> -> memref<1x1920xf32, #tpu.memory_space<vmem_shared>>
    %dma_start3A_51 = tpu.memref_squeeze %dma_start3A_50 : memref<1x1920xf32, #tpu.memory_space<vmem_shared>> -> memref<1920xf32, #tpu.memory_space<vmem_shared>>
    %dma_start3A_52 = tpu.memref_slice %arg13[%dma_start3A_49, %mul3A_48] : memref<16x28800xf32, #tpu.memory_space<vmem_shared>> -> memref<1x1920xf32, #tpu.memory_space<vmem_shared>>
    %dma_start3A_53 = tpu.memref_squeeze %dma_start3A_52 : memref<1x1920xf32, #tpu.memory_space<vmem_shared>> -> memref<1920xf32, #tpu.memory_space<vmem_shared>>
    tpu.enqueue_dma source(%dma_start3A_53 : memref<1920xf32, #tpu.memory_space<vmem_shared>>) target(%arg10 : memref<1920xf32, #tpu.memory_space<vmem>>) target_semaphore(%arg14 : memref<!tpu.dma_semaphore, #tpu.memory_space<semaphore_mem>>)
    %dma_wait3A_54 = arith.constant 1 : i32
    %dma_wait3A_55 = tpu.memref_slice %arg13[%dma_wait3A_54, %mul3A_48] : memref<16x28800xf32, #tpu.memory_space<vmem_shared>> -> memref<1x1920xf32, #tpu.memory_space<vmem_shared>>
    %dma_wait3A_56 = tpu.memref_squeeze %dma_wait3A_55 : memref<1x1920xf32, #tpu.memory_space<vmem_shared>> -> memref<1920xf32, #tpu.memory_space<vmem_shared>>
    %dma_wait3A_57 = tpu.memref_slice %arg13[%dma_wait3A_54, %mul3A_48] : memref<16x28800xf32, #tpu.memory_space<vmem_shared>> -> memref<1x1920xf32, #tpu.memory_space<vmem_shared>>
    %dma_wait3A_58 = tpu.memref_squeeze %dma_wait3A_57 : memref<1x1920xf32, #tpu.memory_space<vmem_shared>> -> memref<1920xf32, #tpu.memory_space<vmem_shared>>
    tpu.wait_dma2 semaphore(%arg14 : memref<!tpu.dma_semaphore, #tpu.memory_space<semaphore_mem>>) src(%dma_wait3A_58 : memref<1920xf32, #tpu.memory_space<vmem_shared>>) dst(%arg10 : memref<1920xf32, #tpu.memory_space<vmem>>)
    %dma_start3A_59 = arith.constant 2 : i32
    %dma_start3A_60 = tpu.memref_slice %arg13[%dma_start3A_59, %mul3A_48] : memref<16x28800xf32, #tpu.memory_space<vmem_shared>> -> memref<1x1920xf32, #tpu.memory_space<vmem_shared>>
    %dma_start3A_61 = tpu.memref_squeeze %dma_start3A_60 : memref<1x1920xf32, #tpu.memory_space<vmem_shared>> -> memref<1920xf32, #tpu.memory_space<vmem_shared>>
    %dma_start3A_62 = tpu.memref_slice %arg13[%dma_start3A_59, %mul3A_48] : memref<16x28800xf32, #tpu.memory_space<vmem_shared>> -> memref<1x1920xf32, #tpu.memory_space<vmem_shared>>
    %dma_start3A_63 = tpu.memref_squeeze %dma_start3A_62 : memref<1x1920xf32, #tpu.memory_space<vmem_shared>> -> memref<1920xf32, #tpu.memory_space<vmem_shared>>
    tpu.enqueue_dma source(%dma_start3A_63 : memref<1920xf32, #tpu.memory_space<vmem_shared>>) target(%arg11 : memref<1920xf32, #tpu.memory_space<vmem>>) target_semaphore(%arg15 : memref<!tpu.dma_semaphore, #tpu.memory_space<semaphore_mem>>)
    %scan3A_64 = arith.constant 0 : i32
    %scan3A_65 = arith.constant 120 : i32
    %scan3A_66 = arith.addi %scan3A_64, %scan3A_65 : i32
    %scan3A_67 = arith.constant 1 : i32
    scf.for %scan3A_274 = %scan3A_64 to %scan3A_66 step %scan3A_67  : i32 {
      %mul3A_275 = arith.constant 16 : i32
      %mul3A_276 = arith.muli %scan3A_274, %mul3A_275 : i32
      %get3A = arith.index_cast %mul3A_276 : i32 to index
      %get3A_277 = tpu.vector_load %arg12[%get3A] {strides = array<i32>} : memref<1920xf32, #tpu.memory_space<vmem>>, vector<16xf32>,
      %get3A_278 = arith.index_cast %mul3A_276 : i32 to index
      %get3A_279 = tpu.vector_load %arg10[%get3A_278] {strides = array<i32>} : memref<1920xf32, #tpu.memory_space<vmem>>, vector<16xf32>,
      %add3A_280 = arith.addf %get3A_277, %get3A_279 : vector<16xf32>
      %swap3A = arith.index_cast %mul3A_276 : i32 to index
      %swap3A_281 = tpu.vector_load %arg12[%swap3A] {strides = array<i32>} : memref<1920xf32, #tpu.memory_space<vmem>>, vector<16xf32>,
      tpu.vector_store %arg12[%swap3A], %add3A_280 {strides = array<i32>} : memref<1920xf32, #tpu.memory_space<vmem>>, vector<16xf32>,
    }
    %scan3A_68 = arith.constant 120 : i32
    %dma_wait3A_69 = arith.constant 2 : i32
    %dma_wait3A_70 = tpu.memref_slice %arg13[%dma_wait3A_69, %mul3A_48] : memref<16x28800xf32, #tpu.memory_space<vmem_shared>> -> memref<1x1920xf32, #tpu.memory_space<vmem_shared>>
    %dma_wait3A_71 = tpu.memref_squeeze %dma_wait3A_70 : memref<1x1920xf32, #tpu.memory_space<vmem_shared>> -> memref<1920xf32, #tpu.memory_space<vmem_shared>>
    %dma_wait3A_72 = tpu.memref_slice %arg13[%dma_wait3A_69, %mul3A_48] : memref<16x28800xf32, #tpu.memory_space<vmem_shared>> -> memref<1x1920xf32, #tpu.memory_space<vmem_shared>>
    %dma_wait3A_73 = tpu.memref_squeeze %dma_wait3A_72 : memref<1x1920xf32, #tpu.memory_space<vmem_shared>> -> memref<1920xf32, #tpu.memory_space<vmem_shared>>
    tpu.wait_dma2 semaphore(%arg15 : memref<!tpu.dma_semaphore, #tpu.memory_space<semaphore_mem>>) src(%dma_wait3A_73 : memref<1920xf32, #tpu.memory_space<vmem_shared>>) dst(%arg11 : memref<1920xf32, #tpu.memory_space<vmem>>)
    %dma_start3A_74 = arith.constant 3 : i32
    %dma_start3A_75 = tpu.memref_slice %arg13[%dma_start3A_74, %mul3A_48] : memref<16x28800xf32, #tpu.memory_space<vmem_shared>> -> memref<1x1920xf32, #tpu.memory_space<vmem_shared>>
    %dma_start3A_76 = tpu.memref_squeeze %dma_start3A_75 : memref<1x1920xf32, #tpu.memory_space<vmem_shared>> -> memref<1920xf32, #tpu.memory_space<vmem_shared>>
    %dma_start3A_77 = tpu.memref_slice %arg13[%dma_start3A_74, %mul3A_48] : memref<16x28800xf32, #tpu.memory_space<vmem_shared>> -> memref<1x1920xf32, #tpu.memory_space<vmem_shared>>
    %dma_start3A_78 = tpu.memref_squeeze %dma_start3A_77 : memref<1x1920xf32, #tpu.memory_space<vmem_shared>> -> memref<1920xf32, #tpu.memory_space<vmem_shared>>
    tpu.enqueue_dma source(%dma_start3A_78 : memref<1920xf32, #tpu.memory_space<vmem_shared>>) target(%arg10 : memref<1920xf32, #tpu.memory_space<vmem>>) target_semaphore(%arg14 : memref<!tpu.dma_semaphore, #tpu.memory_space<semaphore_mem>>)
    %scan3A_79 = arith.constant 0 : i32
    %scan3A_80 = arith.constant 120 : i32
    %scan3A_81 = arith.addi %scan3A_79, %scan3A_80 : i32
    %scan3A_82 = arith.constant 1 : i32
    scf.for %scan3A_274 = %scan3A_79 to %scan3A_81 step %scan3A_82  : i32 {
      %mul3A_275 = arith.constant 16 : i32
      %mul3A_276 = arith.muli %scan3A_274, %mul3A_275 : i32
      %get3A = arith.index_cast %mul3A_276 : i32 to index
      %get3A_277 = tpu.vector_load %arg12[%get3A] {strides = array<i32>} : memref<1920xf32, #tpu.memory_space<vmem>>, vector<16xf32>,
      %get3A_278 = arith.index_cast %mul3A_276 : i32 to index
      %get3A_279 = tpu.vector_load %arg11[%get3A_278] {strides = array<i32>} : memref<1920xf32, #tpu.memory_space<vmem>>, vector<16xf32>,
      %add3A_280 = arith.addf %get3A_277, %get3A_279 : vector<16xf32>
      %swap3A = arith.index_cast %mul3A_276 : i32 to index
      %swap3A_281 = tpu.vector_load %arg12[%swap3A] {strides = array<i32>} : memref<1920xf32, #tpu.memory_space<vmem>>, vector<16xf32>,
      tpu.vector_store %arg12[%swap3A], %add3A_280 {strides = array<i32>} : memref<1920xf32, #tpu.memory_space<vmem>>, vector<16xf32>,
    }
    %scan3A_83 = arith.constant 120 : i32
    %dma_wait3A_84 = arith.constant 3 : i32
    %dma_wait3A_85 = tpu.memref_slice %arg13[%dma_wait3A_84, %mul3A_48] : memref<16x28800xf32, #tpu.memory_space<vmem_shared>> -> memref<1x1920xf32, #tpu.memory_space<vmem_shared>>
    %dma_wait3A_86 = tpu.memref_squeeze %dma_wait3A_85 : memref<1x1920xf32, #tpu.memory_space<vmem_shared>> -> memref<1920xf32, #tpu.memory_space<vmem_shared>>
    %dma_wait3A_87 = tpu.memref_slice %arg13[%dma_wait3A_84, %mul3A_48] : memref<16x28800xf32, #tpu.memory_space<vmem_shared>> -> memref<1x1920xf32, #tpu.memory_space<vmem_shared>>
    %dma_wait3A_88 = tpu.memref_squeeze %dma_wait3A_87 : memref<1x1920xf32, #tpu.memory_space<vmem_shared>> -> memref<1920xf32, #tpu.memory_space<vmem_shared>>
    tpu.wait_dma2 semaphore(%arg14 : memref<!tpu.dma_semaphore, #tpu.memory_space<semaphore_mem>>) src(%dma_wait3A_88 : memref<1920xf32, #tpu.memory_space<vmem_shared>>) dst(%arg10 : memref<1920xf32, #tpu.memory_space<vmem>>)
    %dma_start3A_89 = arith.constant 4 : i32
    %dma_start3A_90 = tpu.memref_slice %arg13[%dma_start3A_89, %mul3A_48] : memref<16x28800xf32, #tpu.memory_space<vmem_shared>> -> memref<1x1920xf32, #tpu.memory_space<vmem_shared>>
    %dma_start3A_91 = tpu.memref_squeeze %dma_start3A_90 : memref<1x1920xf32, #tpu.memory_space<vmem_shared>> -> memref<1920xf32, #tpu.memory_space<vmem_shared>>
    %dma_start3A_92 = tpu.memref_slice %arg13[%dma_start3A_89, %mul3A_48] : memref<16x28800xf32, #tpu.memory_space<vmem_shared>> -> memref<1x1920xf32, #tpu.memory_space<vmem_shared>>
    %dma_start3A_93 = tpu.memref_squeeze %dma_start3A_92 : memref<1x1920xf32, #tpu.memory_space<vmem_shared>> -> memref<1920xf32, #tpu.memory_space<vmem_shared>>
    tpu.enqueue_dma source(%dma_start3A_93 : memref<1920xf32, #tpu.memory_space<vmem_shared>>) target(%arg11 : memref<1920xf32, #tpu.memory_space<vmem>>) target_semaphore(%arg15 : memref<!tpu.dma_semaphore, #tpu.memory_space<semaphore_mem>>)
    %scan3A_94 = arith.constant 0 : i32
    %scan3A_95 = arith.constant 120 : i32
    %scan3A_96 = arith.addi %scan3A_94, %scan3A_95 : i32
    %scan3A_97 = arith.constant 1 : i32
    scf.for %scan3A_274 = %scan3A_94 to %scan3A_96 step %scan3A_97  : i32 {
      %mul3A_275 = arith.constant 16 : i32
      %mul3A_276 = arith.muli %scan3A_274, %mul3A_275 : i32
      %get3A = arith.index_cast %mul3A_276 : i32 to index
      %get3A_277 = tpu.vector_load %arg12[%get3A] {strides = array<i32>} : memref<1920xf32, #tpu.memory_space<vmem>>, vector<16xf32>,
      %get3A_278 = arith.index_cast %mul3A_276 : i32 to index
      %get3A_279 = tpu.vector_load %arg10[%get3A_278] {strides = array<i32>} : memref<1920xf32, #tpu.memory_space<vmem>>, vector<16xf32>,
      %add3A_280 = arith.addf %get3A_277, %get3A_279 : vector<16xf32>
      %swap3A = arith.index_cast %mul3A_276 : i32 to index
      %swap3A_281 = tpu.vector_load %arg12[%swap3A] {strides = array<i32>} : memref<1920xf32, #tpu.memory_space<vmem>>, vector<16xf32>,
      tpu.vector_store %arg12[%swap3A], %add3A_280 {strides = array<i32>} : memref<1920xf32, #tpu.memory_space<vmem>>, vector<16xf32>,
    }
    %scan3A_98 = arith.constant 120 : i32
    %dma_wait3A_99 = arith.constant 4 : i32
    %dma_wait3A_100 = tpu.memref_slice %arg13[%dma_wait3A_99, %mul3A_48] : memref<16x28800xf32, #tpu.memory_space<vmem_shared>> -> memref<1x1920xf32, #tpu.memory_space<vmem_shared>>
    %dma_wait3A_101 = tpu.memref_squeeze %dma_wait3A_100 : memref<1x1920xf32, #tpu.memory_space<vmem_shared>> -> memref<1920xf32, #tpu.memory_space<vmem_shared>>
    %dma_wait3A_102 = tpu.memref_slice %arg13[%dma_wait3A_99, %mul3A_48] : memref<16x28800xf32, #tpu.memory_space<vmem_shared>> -> memref<1x1920xf32, #tpu.memory_space<vmem_shared>>
    %dma_wait3A_103 = tpu.memref_squeeze %dma_wait3A_102 : memref<1x1920xf32, #tpu.memory_space<vmem_shared>> -> memref<1920xf32, #tpu.memory_space<vmem_shared>>
    tpu.wait_dma2 semaphore(%arg15 : memref<!tpu.dma_semaphore, #tpu.memory_space<semaphore_mem>>) src(%dma_wait3A_103 : memref<1920xf32, #tpu.memory_space<vmem_shared>>) dst(%arg11 : memref<1920xf32, #tpu.memory_space<vmem>>)
    %dma_start3A_104 = arith.constant 5 : i32
    %dma_start3A_105 = tpu.memref_slice %arg13[%dma_start3A_104, %mul3A_48] : memref<16x28800xf32, #tpu.memory_space<vmem_shared>> -> memref<1x1920xf32, #tpu.memory_space<vmem_shared>>
    %dma_start3A_106 = tpu.memref_squeeze %dma_start3A_105 : memref<1x1920xf32, #tpu.memory_space<vmem_shared>> -> memref<1920xf32, #tpu.memory_space<vmem_shared>>
    %dma_start3A_107 = tpu.memref_slice %arg13[%dma_start3A_104, %mul3A_48] : memref<16x28800xf32, #tpu.memory_space<vmem_shared>> -> memref<1x1920xf32, #tpu.memory_space<vmem_shared>>
    %dma_start3A_108 = tpu.memref_squeeze %dma_start3A_107 : memref<1x1920xf32, #tpu.memory_space<vmem_shared>> -> memref<1920xf32, #tpu.memory_space<vmem_shared>>
    tpu.enqueue_dma source(%dma_start3A_108 : memref<1920xf32, #tpu.memory_space<vmem_shared>>) target(%arg10 : memref<1920xf32, #tpu.memory_space<vmem>>) target_semaphore(%arg14 : memref<!tpu.dma_semaphore, #tpu.memory_space<semaphore_mem>>)
    %scan3A_109 = arith.constant 0 : i32
    %scan3A_110 = arith.constant 120 : i32
    %scan3A_111 = arith.addi %scan3A_109, %scan3A_110 : i32
    %scan3A_112 = arith.constant 1 : i32
    scf.for %scan3A_274 = %scan3A_109 to %scan3A_111 step %scan3A_112  : i32 {
      %mul3A_275 = arith.constant 16 : i32
      %mul3A_276 = arith.muli %scan3A_274, %mul3A_275 : i32
      %get3A = arith.index_cast %mul3A_276 : i32 to index
      %get3A_277 = tpu.vector_load %arg12[%get3A] {strides = array<i32>} : memref<1920xf32, #tpu.memory_space<vmem>>, vector<16xf32>,
      %get3A_278 = arith.index_cast %mul3A_276 : i32 to index
      %get3A_279 = tpu.vector_load %arg11[%get3A_278] {strides = array<i32>} : memref<1920xf32, #tpu.memory_space<vmem>>, vector<16xf32>,
      %add3A_280 = arith.addf %get3A_277, %get3A_279 : vector<16xf32>
      %swap3A = arith.index_cast %mul3A_276 : i32 to index
      %swap3A_281 = tpu.vector_load %arg12[%swap3A] {strides = array<i32>} : memref<1920xf32, #tpu.memory_space<vmem>>, vector<16xf32>,
      tpu.vector_store %arg12[%swap3A], %add3A_280 {strides = array<i32>} : memref<1920xf32, #tpu.memory_space<vmem>>, vector<16xf32>,
    }
    %scan3A_113 = arith.constant 120 : i32
    %dma_wait3A_114 = arith.constant 5 : i32
    %dma_wait3A_115 = tpu.memref_slice %arg13[%dma_wait3A_114, %mul3A_48] : memref<16x28800xf32, #tpu.memory_space<vmem_shared>> -> memref<1x1920xf32, #tpu.memory_space<vmem_shared>>
    %dma_wait3A_116 = tpu.memref_squeeze %dma_wait3A_115 : memref<1x1920xf32, #tpu.memory_space<vmem_shared>> -> memref<1920xf32, #tpu.memory_space<vmem_shared>>
    %dma_wait3A_117 = tpu.memref_slice %arg13[%dma_wait3A_114, %mul3A_48] : memref<16x28800xf32, #tpu.memory_space<vmem_shared>> -> memref<1x1920xf32, #tpu.memory_space<vmem_shared>>
    %dma_wait3A_118 = tpu.memref_squeeze %dma_wait3A_117 : memref<1x1920xf32, #tpu.memory_space<vmem_shared>> -> memref<1920xf32, #tpu.memory_space<vmem_shared>>
    tpu.wait_dma2 semaphore(%arg14 : memref<!tpu.dma_semaphore, #tpu.memory_space<semaphore_mem>>) src(%dma_wait3A_118 : memref<1920xf32, #tpu.memory_space<vmem_shared>>) dst(%arg10 : memref<1920xf32, #tpu.memory_space<vmem>>)
    %dma_start3A_119 = arith.constant 6 : i32
    %dma_start3A_120 = tpu.memref_slice %arg13[%dma_start3A_119, %mul3A_48] : memref<16x28800xf32, #tpu.memory_space<vmem_shared>> -> memref<1x1920xf32, #tpu.memory_space<vmem_shared>>
    %dma_start3A_121 = tpu.memref_squeeze %dma_start3A_120 : memref<1x1920xf32, #tpu.memory_space<vmem_shared>> -> memref<1920xf32, #tpu.memory_space<vmem_shared>>
    %dma_start3A_122 = tpu.memref_slice %arg13[%dma_start3A_119, %mul3A_48] : memref<16x28800xf32, #tpu.memory_space<vmem_shared>> -> memref<1x1920xf32, #tpu.memory_space<vmem_shared>>
    %dma_start3A_123 = tpu.memref_squeeze %dma_start3A_122 : memref<1x1920xf32, #tpu.memory_space<vmem_shared>> -> memref<1920xf32, #tpu.memory_space<vmem_shared>>
    tpu.enqueue_dma source(%dma_start3A_123 : memref<1920xf32, #tpu.memory_space<vmem_shared>>) target(%arg11 : memref<1920xf32, #tpu.memory_space<vmem>>) target_semaphore(%arg15 : memref<!tpu.dma_semaphore, #tpu.memory_space<semaphore_mem>>)
    %scan3A_124 = arith.constant 0 : i32
    %scan3A_125 = arith.constant 120 : i32
    %scan3A_126 = arith.addi %scan3A_124, %scan3A_125 : i32
    %scan3A_127 = arith.constant 1 : i32
    scf.for %scan3A_274 = %scan3A_124 to %scan3A_126 step %scan3A_127  : i32 {
      %mul3A_275 = arith.constant 16 : i32
      %mul3A_276 = arith.muli %scan3A_274, %mul3A_275 : i32
      %get3A = arith.index_cast %mul3A_276 : i32 to index
      %get3A_277 = tpu.vector_load %arg12[%get3A] {strides = array<i32>} : memref<1920xf32, #tpu.memory_space<vmem>>, vector<16xf32>,
      %get3A_278 = arith.index_cast %mul3A_276 : i32 to index
      %get3A_279 = tpu.vector_load %arg10[%get3A_278] {strides = array<i32>} : memref<1920xf32, #tpu.memory_space<vmem>>, vector<16xf32>,
      %add3A_280 = arith.addf %get3A_277, %get3A_279 : vector<16xf32>
      %swap3A = arith.index_cast %mul3A_276 : i32 to index
      %swap3A_281 = tpu.vector_load %arg12[%swap3A] {strides = array<i32>} : memref<1920xf32, #tpu.memory_space<vmem>>, vector<16xf32>,
      tpu.vector_store %arg12[%swap3A], %add3A_280 {strides = array<i32>} : memref<1920xf32, #tpu.memory_space<vmem>>, vector<16xf32>,
    }
    %scan3A_128 = arith.constant 120 : i32
    %dma_wait3A_129 = arith.constant 6 : i32
    %dma_wait3A_130 = tpu.memref_slice %arg13[%dma_wait3A_129, %mul3A_48] : memref<16x28800xf32, #tpu.memory_space<vmem_shared>> -> memref<1x1920xf32, #tpu.memory_space<vmem_shared>>
    %dma_wait3A_131 = tpu.memref_squeeze %dma_wait3A_130 : memref<1x1920xf32, #tpu.memory_space<vmem_shared>> -> memref<1920xf32, #tpu.memory_space<vmem_shared>>
    %dma_wait3A_132 = tpu.memref_slice %arg13[%dma_wait3A_129, %mul3A_48] : memref<16x28800xf32, #tpu.memory_space<vmem_shared>> -> memref<1x1920xf32, #tpu.memory_space<vmem_shared>>
    %dma_wait3A_133 = tpu.memref_squeeze %dma_wait3A_132 : memref<1x1920xf32, #tpu.memory_space<vmem_shared>> -> memref<1920xf32, #tpu.memory_space<vmem_shared>>
    tpu.wait_dma2 semaphore(%arg15 : memref<!tpu.dma_semaphore, #tpu.memory_space<semaphore_mem>>) src(%dma_wait3A_133 : memref<1920xf32, #tpu.memory_space<vmem_shared>>) dst(%arg11 : memref<1920xf32, #tpu.memory_space<vmem>>)
    %dma_start3A_134 = arith.constant 7 : i32
    %dma_start3A_135 = tpu.memref_slice %arg13[%dma_start3A_134, %mul3A_48] : memref<16x28800xf32, #tpu.memory_space<vmem_shared>> -> memref<1x1920xf32, #tpu.memory_space<vmem_shared>>
    %dma_start3A_136 = tpu.memref_squeeze %dma_start3A_135 : memref<1x1920xf32, #tpu.memory_space<vmem_shared>> -> memref<1920xf32, #tpu.memory_space<vmem_shared>>
    %dma_start3A_137 = tpu.memref_slice %arg13[%dma_start3A_134, %mul3A_48] : memref<16x28800xf32, #tpu.memory_space<vmem_shared>> -> memref<1x1920xf32, #tpu.memory_space<vmem_shared>>
    %dma_start3A_138 = tpu.memref_squeeze %dma_start3A_137 : memref<1x1920xf32, #tpu.memory_space<vmem_shared>> -> memref<1920xf32, #tpu.memory_space<vmem_shared>>
    tpu.enqueue_dma source(%dma_start3A_138 : memref<1920xf32, #tpu.memory_space<vmem_shared>>) target(%arg10 : memref<1920xf32, #tpu.memory_space<vmem>>) target_semaphore(%arg14 : memref<!tpu.dma_semaphore, #tpu.memory_space<semaphore_mem>>)
    %scan3A_139 = arith.constant 0 : i32
    %scan3A_140 = arith.constant 120 : i32
    %scan3A_141 = arith.addi %scan3A_139, %scan3A_140 : i32
    %scan3A_142 = arith.constant 1 : i32
    scf.for %scan3A_274 = %scan3A_139 to %scan3A_141 step %scan3A_142  : i32 {
      %mul3A_275 = arith.constant 16 : i32
      %mul3A_276 = arith.muli %scan3A_274, %mul3A_275 : i32
      %get3A = arith.index_cast %mul3A_276 : i32 to index
      %get3A_277 = tpu.vector_load %arg12[%get3A] {strides = array<i32>} : memref<1920xf32, #tpu.memory_space<vmem>>, vector<16xf32>,
      %get3A_278 = arith.index_cast %mul3A_276 : i32 to index
      %get3A_279 = tpu.vector_load %arg11[%get3A_278] {strides = array<i32>} : memref<1920xf32, #tpu.memory_space<vmem>>, vector<16xf32>,
      %add3A_280 = arith.addf %get3A_277, %get3A_279 : vector<16xf32>
      %swap3A = arith.index_cast %mul3A_276 : i32 to index
      %swap3A_281 = tpu.vector_load %arg12[%swap3A] {strides = array<i32>} : memref<1920xf32, #tpu.memory_space<vmem>>, vector<16xf32>,
      tpu.vector_store %arg12[%swap3A], %add3A_280 {strides = array<i32>} : memref<1920xf32, #tpu.memory_space<vmem>>, vector<16xf32>,
    }
    %scan3A_143 = arith.constant 120 : i32
    %dma_wait3A_144 = arith.constant 7 : i32
    %dma_wait3A_145 = tpu.memref_slice %arg13[%dma_wait3A_144, %mul3A_48] : memref<16x28800xf32, #tpu.memory_space<vmem_shared>> -> memref<1x1920xf32, #tpu.memory_space<vmem_shared>>
    %dma_wait3A_146 = tpu.memref_squeeze %dma_wait3A_145 : memref<1x1920xf32, #tpu.memory_space<vmem_shared>> -> memref<1920xf32, #tpu.memory_space<vmem_shared>>
    %dma_wait3A_147 = tpu.memref_slice %arg13[%dma_wait3A_144, %mul3A_48] : memref<16x28800xf32, #tpu.memory_space<vmem_shared>> -> memref<1x1920xf32, #tpu.memory_space<vmem_shared>>
    %dma_wait3A_148 = tpu.memref_squeeze %dma_wait3A_147 : memref<1x1920xf32, #tpu.memory_space<vmem_shared>> -> memref<1920xf32, #tpu.memory_space<vmem_shared>>
    tpu.wait_dma2 semaphore(%arg14 : memref<!tpu.dma_semaphore, #tpu.memory_space<semaphore_mem>>) src(%dma_wait3A_148 : memref<1920xf32, #tpu.memory_space<vmem_shared>>) dst(%arg10 : memref<1920xf32, #tpu.memory_space<vmem>>)
    %dma_start3A_149 = arith.constant 8 : i32
    %dma_start3A_150 = tpu.memref_slice %arg13[%dma_start3A_149, %mul3A_48] : memref<16x28800xf32, #tpu.memory_space<vmem_shared>> -> memref<1x1920xf32, #tpu.memory_space<vmem_shared>>
    %dma_start3A_151 = tpu.memref_squeeze %dma_start3A_150 : memref<1x1920xf32, #tpu.memory_space<vmem_shared>> -> memref<1920xf32, #tpu.memory_space<vmem_shared>>
    %dma_start3A_152 = tpu.memref_slice %arg13[%dma_start3A_149, %mul3A_48] : memref<16x28800xf32, #tpu.memory_space<vmem_shared>> -> memref<1x1920xf32, #tpu.memory_space<vmem_shared>>
    %dma_start3A_153 = tpu.memref_squeeze %dma_start3A_152 : memref<1x1920xf32, #tpu.memory_space<vmem_shared>> -> memref<1920xf32, #tpu.memory_space<vmem_shared>>
    tpu.enqueue_dma source(%dma_start3A_153 : memref<1920xf32, #tpu.memory_space<vmem_shared>>) target(%arg11 : memref<1920xf32, #tpu.memory_space<vmem>>) target_semaphore(%arg15 : memref<!tpu.dma_semaphore, #tpu.memory_space<semaphore_mem>>)
    %scan3A_154 = arith.constant 0 : i32
    %scan3A_155 = arith.constant 120 : i32
    %scan3A_156 = arith.addi %scan3A_154, %scan3A_155 : i32
    %scan3A_157 = arith.constant 1 : i32
    scf.for %scan3A_274 = %scan3A_154 to %scan3A_156 step %scan3A_157  : i32 {
      %mul3A_275 = arith.constant 16 : i32
      %mul3A_276 = arith.muli %scan3A_274, %mul3A_275 : i32
      %get3A = arith.index_cast %mul3A_276 : i32 to index
      %get3A_277 = tpu.vector_load %arg12[%get3A] {strides = array<i32>} : memref<1920xf32, #tpu.memory_space<vmem>>, vector<16xf32>,
      %get3A_278 = arith.index_cast %mul3A_276 : i32 to index
      %get3A_279 = tpu.vector_load %arg10[%get3A_278] {strides = array<i32>} : memref<1920xf32, #tpu.memory_space<vmem>>, vector<16xf32>,
      %add3A_280 = arith.addf %get3A_277, %get3A_279 : vector<16xf32>
      %swap3A = arith.index_cast %mul3A_276 : i32 to index
      %swap3A_281 = tpu.vector_load %arg12[%swap3A] {strides = array<i32>} : memref<1920xf32, #tpu.memory_space<vmem>>, vector<16xf32>,
      tpu.vector_store %arg12[%swap3A], %add3A_280 {strides = array<i32>} : memref<1920xf32, #tpu.memory_space<vmem>>, vector<16xf32>,
    }
    %scan3A_158 = arith.constant 120 : i32
    %dma_wait3A_159 = arith.constant 8 : i32
    %dma_wait3A_160 = tpu.memref_slice %arg13[%dma_wait3A_159, %mul3A_48] : memref<16x28800xf32, #tpu.memory_space<vmem_shared>> -> memref<1x1920xf32, #tpu.memory_space<vmem_shared>>
    %dma_wait3A_161 = tpu.memref_squeeze %dma_wait3A_160 : memref<1x1920xf32, #tpu.memory_space<vmem_shared>> -> memref<1920xf32, #tpu.memory_space<vmem_shared>>
    %dma_wait3A_162 = tpu.memref_slice %arg13[%dma_wait3A_159, %mul3A_48] : memref<16x28800xf32, #tpu.memory_space<vmem_shared>> -> memref<1x1920xf32, #tpu.memory_space<vmem_shared>>
    %dma_wait3A_163 = tpu.memref_squeeze %dma_wait3A_162 : memref<1x1920xf32, #tpu.memory_space<vmem_shared>> -> memref<1920xf32, #tpu.memory_space<vmem_shared>>
    tpu.wait_dma2 semaphore(%arg15 : memref<!tpu.dma_semaphore, #tpu.memory_space<semaphore_mem>>) src(%dma_wait3A_163 : memref<1920xf32, #tpu.memory_space<vmem_shared>>) dst(%arg11 : memref<1920xf32, #tpu.memory_space<vmem>>)
    %dma_start3A_164 = arith.constant 9 : i32
    %dma_start3A_165 = tpu.memref_slice %arg13[%dma_start3A_164, %mul3A_48] : memref<16x28800xf32, #tpu.memory_space<vmem_shared>> -> memref<1x1920xf32, #tpu.memory_space<vmem_shared>>
    %dma_start3A_166 = tpu.memref_squeeze %dma_start3A_165 : memref<1x1920xf32, #tpu.memory_space<vmem_shared>> -> memref<1920xf32, #tpu.memory_space<vmem_shared>>
    %dma_start3A_167 = tpu.memref_slice %arg13[%dma_start3A_164, %mul3A_48] : memref<16x28800xf32, #tpu.memory_space<vmem_shared>> -> memref<1x1920xf32, #tpu.memory_space<vmem_shared>>
    %dma_start3A_168 = tpu.memref_squeeze %dma_start3A_167 : memref<1x1920xf32, #tpu.memory_space<vmem_shared>> -> memref<1920xf32, #tpu.memory_space<vmem_shared>>
    tpu.enqueue_dma source(%dma_start3A_168 : memref<1920xf32, #tpu.memory_space<vmem_shared>>) target(%arg10 : memref<1920xf32, #tpu.memory_space<vmem>>) target_semaphore(%arg14 : memref<!tpu.dma_semaphore, #tpu.memory_space<semaphore_mem>>)
    %scan3A_169 = arith.constant 0 : i32
    %scan3A_170 = arith.constant 120 : i32
    %scan3A_171 = arith.addi %scan3A_169, %scan3A_170 : i32
    %scan3A_172 = arith.constant 1 : i32
    scf.for %scan3A_274 = %scan3A_169 to %scan3A_171 step %scan3A_172  : i32 {
      %mul3A_275 = arith.constant 16 : i32
      %mul3A_276 = arith.muli %scan3A_274, %mul3A_275 : i32
      %get3A = arith.index_cast %mul3A_276 : i32 to index
      %get3A_277 = tpu.vector_load %arg12[%get3A] {strides = array<i32>} : memref<1920xf32, #tpu.memory_space<vmem>>, vector<16xf32>,
      %get3A_278 = arith.index_cast %mul3A_276 : i32 to index
      %get3A_279 = tpu.vector_load %arg11[%get3A_278] {strides = array<i32>} : memref<1920xf32, #tpu.memory_space<vmem>>, vector<16xf32>,
      %add3A_280 = arith.addf %get3A_277, %get3A_279 : vector<16xf32>
      %swap3A = arith.index_cast %mul3A_276 : i32 to index
      %swap3A_281 = tpu.vector_load %arg12[%swap3A] {strides = array<i32>} : memref<1920xf32, #tpu.memory_space<vmem>>, vector<16xf32>,
      tpu.vector_store %arg12[%swap3A], %add3A_280 {strides = array<i32>} : memref<1920xf32, #tpu.memory_space<vmem>>, vector<16xf32>,
    }
    %scan3A_173 = arith.constant 120 : i32
    %dma_wait3A_174 = arith.constant 9 : i32
    %dma_wait3A_175 = tpu.memref_slice %arg13[%dma_wait3A_174, %mul3A_48] : memref<16x28800xf32, #tpu.memory_space<vmem_shared>> -> memref<1x1920xf32, #tpu.memory_space<vmem_shared>>
    %dma_wait3A_176 = tpu.memref_squeeze %dma_wait3A_175 : memref<1x1920xf32, #tpu.memory_space<vmem_shared>> -> memref<1920xf32, #tpu.memory_space<vmem_shared>>
    %dma_wait3A_177 = tpu.memref_slice %arg13[%dma_wait3A_174, %mul3A_48] : memref<16x28800xf32, #tpu.memory_space<vmem_shared>> -> memref<1x1920xf32, #tpu.memory_space<vmem_shared>>
    %dma_wait3A_178 = tpu.memref_squeeze %dma_wait3A_177 : memref<1x1920xf32, #tpu.memory_space<vmem_shared>> -> memref<1920xf32, #tpu.memory_space<vmem_shared>>
    tpu.wait_dma2 semaphore(%arg14 : memref<!tpu.dma_semaphore, #tpu.memory_space<semaphore_mem>>) src(%dma_wait3A_178 : memref<1920xf32, #tpu.memory_space<vmem_shared>>) dst(%arg10 : memref<1920xf32, #tpu.memory_space<vmem>>)
    %dma_start3A_179 = arith.constant 10 : i32
    %dma_start3A_180 = tpu.memref_slice %arg13[%dma_start3A_179, %mul3A_48] : memref<16x28800xf32, #tpu.memory_space<vmem_shared>> -> memref<1x1920xf32, #tpu.memory_space<vmem_shared>>
    %dma_start3A_181 = tpu.memref_squeeze %dma_start3A_180 : memref<1x1920xf32, #tpu.memory_space<vmem_shared>> -> memref<1920xf32, #tpu.memory_space<vmem_shared>>
    %dma_start3A_182 = tpu.memref_slice %arg13[%dma_start3A_179, %mul3A_48] : memref<16x28800xf32, #tpu.memory_space<vmem_shared>> -> memref<1x1920xf32, #tpu.memory_space<vmem_shared>>
    %dma_start3A_183 = tpu.memref_squeeze %dma_start3A_182 : memref<1x1920xf32, #tpu.memory_space<vmem_shared>> -> memref<1920xf32, #tpu.memory_space<vmem_shared>>
    tpu.enqueue_dma source(%dma_start3A_183 : memref<1920xf32, #tpu.memory_space<vmem_shared>>) target(%arg11 : memref<1920xf32, #tpu.memory_space<vmem>>) target_semaphore(%arg15 : memref<!tpu.dma_semaphore, #tpu.memory_space<semaphore_mem>>)
    %scan3A_184 = arith.constant 0 : i32
    %scan3A_185 = arith.constant 120 : i32
    %scan3A_186 = arith.addi %scan3A_184, %scan3A_185 : i32
    %scan3A_187 = arith.constant 1 : i32
    scf.for %scan3A_274 = %scan3A_184 to %scan3A_186 step %scan3A_187  : i32 {
      %mul3A_275 = arith.constant 16 : i32
      %mul3A_276 = arith.muli %scan3A_274, %mul3A_275 : i32
      %get3A = arith.index_cast %mul3A_276 : i32 to index
      %get3A_277 = tpu.vector_load %arg12[%get3A] {strides = array<i32>} : memref<1920xf32, #tpu.memory_space<vmem>>, vector<16xf32>,
      %get3A_278 = arith.index_cast %mul3A_276 : i32 to index
      %get3A_279 = tpu.vector_load %arg10[%get3A_278] {strides = array<i32>} : memref<1920xf32, #tpu.memory_space<vmem>>, vector<16xf32>,
      %add3A_280 = arith.addf %get3A_277, %get3A_279 : vector<16xf32>
      %swap3A = arith.index_cast %mul3A_276 : i32 to index
      %swap3A_281 = tpu.vector_load %arg12[%swap3A] {strides = array<i32>} : memref<1920xf32, #tpu.memory_space<vmem>>, vector<16xf32>,
      tpu.vector_store %arg12[%swap3A], %add3A_280 {strides = array<i32>} : memref<1920xf32, #tpu.memory_space<vmem>>, vector<16xf32>,
    }
    %scan3A_188 = arith.constant 120 : i32
    %dma_wait3A_189 = arith.constant 10 : i32
    %dma_wait3A_190 = tpu.memref_slice %arg13[%dma_wait3A_189, %mul3A_48] : memref<16x28800xf32, #tpu.memory_space<vmem_shared>> -> memref<1x1920xf32, #tpu.memory_space<vmem_shared>>
    %dma_wait3A_191 = tpu.memref_squeeze %dma_wait3A_190 : memref<1x1920xf32, #tpu.memory_space<vmem_shared>> -> memref<1920xf32, #tpu.memory_space<vmem_shared>>
    %dma_wait3A_192 = tpu.memref_slice %arg13[%dma_wait3A_189, %mul3A_48] : memref<16x28800xf32, #tpu.memory_space<vmem_shared>> -> memref<1x1920xf32, #tpu.memory_space<vmem_shared>>
    %dma_wait3A_193 = tpu.memref_squeeze %dma_wait3A_192 : memref<1x1920xf32, #tpu.memory_space<vmem_shared>> -> memref<1920xf32, #tpu.memory_space<vmem_shared>>
    tpu.wait_dma2 semaphore(%arg15 : memref<!tpu.dma_semaphore, #tpu.memory_space<semaphore_mem>>) src(%dma_wait3A_193 : memref<1920xf32, #tpu.memory_space<vmem_shared>>) dst(%arg11 : memref<1920xf32, #tpu.memory_space<vmem>>)
    %dma_start3A_194 = arith.constant 11 : i32
    %dma_start3A_195 = tpu.memref_slice %arg13[%dma_start3A_194, %mul3A_48] : memref<16x28800xf32, #tpu.memory_space<vmem_shared>> -> memref<1x1920xf32, #tpu.memory_space<vmem_shared>>
    %dma_start3A_196 = tpu.memref_squeeze %dma_start3A_195 : memref<1x1920xf32, #tpu.memory_space<vmem_shared>> -> memref<1920xf32, #tpu.memory_space<vmem_shared>>
    %dma_start3A_197 = tpu.memref_slice %arg13[%dma_start3A_194, %mul3A_48] : memref<16x28800xf32, #tpu.memory_space<vmem_shared>> -> memref<1x1920xf32, #tpu.memory_space<vmem_shared>>
    %dma_start3A_198 = tpu.memref_squeeze %dma_start3A_197 : memref<1x1920xf32, #tpu.memory_space<vmem_shared>> -> memref<1920xf32, #tpu.memory_space<vmem_shared>>
    tpu.enqueue_dma source(%dma_start3A_198 : memref<1920xf32, #tpu.memory_space<vmem_shared>>) target(%arg10 : memref<1920xf32, #tpu.memory_space<vmem>>) target_semaphore(%arg14 : memref<!tpu.dma_semaphore, #tpu.memory_space<semaphore_mem>>)
    %scan3A_199 = arith.constant 0 : i32
    %scan3A_200 = arith.constant 120 : i32
    %scan3A_201 = arith.addi %scan3A_199, %scan3A_200 : i32
    %scan3A_202 = arith.constant 1 : i32
    scf.for %scan3A_274 = %scan3A_199 to %scan3A_201 step %scan3A_202  : i32 {
      %mul3A_275 = arith.constant 16 : i32
      %mul3A_276 = arith.muli %scan3A_274, %mul3A_275 : i32
      %get3A = arith.index_cast %mul3A_276 : i32 to index
      %get3A_277 = tpu.vector_load %arg12[%get3A] {strides = array<i32>} : memref<1920xf32, #tpu.memory_space<vmem>>, vector<16xf32>,
      %get3A_278 = arith.index_cast %mul3A_276 : i32 to index
      %get3A_279 = tpu.vector_load %arg11[%get3A_278] {strides = array<i32>} : memref<1920xf32, #tpu.memory_space<vmem>>, vector<16xf32>,
      %add3A_280 = arith.addf %get3A_277, %get3A_279 : vector<16xf32>
      %swap3A = arith.index_cast %mul3A_276 : i32 to index
      %swap3A_281 = tpu.vector_load %arg12[%swap3A] {strides = array<i32>} : memref<1920xf32, #tpu.memory_space<vmem>>, vector<16xf32>,
      tpu.vector_store %arg12[%swap3A], %add3A_280 {strides = array<i32>} : memref<1920xf32, #tpu.memory_space<vmem>>, vector<16xf32>,
    }
    %scan3A_203 = arith.constant 120 : i32
    %dma_wait3A_204 = arith.constant 11 : i32
    %dma_wait3A_205 = tpu.memref_slice %arg13[%dma_wait3A_204, %mul3A_48] : memref<16x28800xf32, #tpu.memory_space<vmem_shared>> -> memref<1x1920xf32, #tpu.memory_space<vmem_shared>>
    %dma_wait3A_206 = tpu.memref_squeeze %dma_wait3A_205 : memref<1x1920xf32, #tpu.memory_space<vmem_shared>> -> memref<1920xf32, #tpu.memory_space<vmem_shared>>
    %dma_wait3A_207 = tpu.memref_slice %arg13[%dma_wait3A_204, %mul3A_48] : memref<16x28800xf32, #tpu.memory_space<vmem_shared>> -> memref<1x1920xf32, #tpu.memory_space<vmem_shared>>
    %dma_wait3A_208 = tpu.memref_squeeze %dma_wait3A_207 : memref<1x1920xf32, #tpu.memory_space<vmem_shared>> -> memref<1920xf32, #tpu.memory_space<vmem_shared>>
    tpu.wait_dma2 semaphore(%arg14 : memref<!tpu.dma_semaphore, #tpu.memory_space<semaphore_mem>>) src(%dma_wait3A_208 : memref<1920xf32, #tpu.memory_space<vmem_shared>>) dst(%arg10 : memref<1920xf32, #tpu.memory_space<vmem>>)
    %dma_start3A_209 = arith.constant 12 : i32
    %dma_start3A_210 = tpu.memref_slice %arg13[%dma_start3A_209, %mul3A_48] : memref<16x28800xf32, #tpu.memory_space<vmem_shared>> -> memref<1x1920xf32, #tpu.memory_space<vmem_shared>>
    %dma_start3A_211 = tpu.memref_squeeze %dma_start3A_210 : memref<1x1920xf32, #tpu.memory_space<vmem_shared>> -> memref<1920xf32, #tpu.memory_space<vmem_shared>>
    %dma_start3A_212 = tpu.memref_slice %arg13[%dma_start3A_209, %mul3A_48] : memref<16x28800xf32, #tpu.memory_space<vmem_shared>> -> memref<1x1920xf32, #tpu.memory_space<vmem_shared>>
    %dma_start3A_213 = tpu.memref_squeeze %dma_start3A_212 : memref<1x1920xf32, #tpu.memory_space<vmem_shared>> -> memref<1920xf32, #tpu.memory_space<vmem_shared>>
    tpu.enqueue_dma source(%dma_start3A_213 : memref<1920xf32, #tpu.memory_space<vmem_shared>>) target(%arg11 : memref<1920xf32, #tpu.memory_space<vmem>>) target_semaphore(%arg15 : memref<!tpu.dma_semaphore, #tpu.memory_space<semaphore_mem>>)
    %scan3A_214 = arith.constant 0 : i32
    %scan3A_215 = arith.constant 120 : i32
    %scan3A_216 = arith.addi %scan3A_214, %scan3A_215 : i32
    %scan3A_217 = arith.constant 1 : i32
    scf.for %scan3A_274 = %scan3A_214 to %scan3A_216 step %scan3A_217  : i32 {
      %mul3A_275 = arith.constant 16 : i32
      %mul3A_276 = arith.muli %scan3A_274, %mul3A_275 : i32
      %get3A = arith.index_cast %mul3A_276 : i32 to index
      %get3A_277 = tpu.vector_load %arg12[%get3A] {strides = array<i32>} : memref<1920xf32, #tpu.memory_space<vmem>>, vector<16xf32>,
      %get3A_278 = arith.index_cast %mul3A_276 : i32 to index
      %get3A_279 = tpu.vector_load %arg10[%get3A_278] {strides = array<i32>} : memref<1920xf32, #tpu.memory_space<vmem>>, vector<16xf32>,
      %add3A_280 = arith.addf %get3A_277, %get3A_279 : vector<16xf32>
      %swap3A = arith.index_cast %mul3A_276 : i32 to index
      %swap3A_281 = tpu.vector_load %arg12[%swap3A] {strides = array<i32>} : memref<1920xf32, #tpu.memory_space<vmem>>, vector<16xf32>,
      tpu.vector_store %arg12[%swap3A], %add3A_280 {strides = array<i32>} : memref<1920xf32, #tpu.memory_space<vmem>>, vector<16xf32>,
    }
    %scan3A_218 = arith.constant 120 : i32
    %dma_wait3A_219 = arith.constant 12 : i32
    %dma_wait3A_220 = tpu.memref_slice %arg13[%dma_wait3A_219, %mul3A_48] : memref<16x28800xf32, #tpu.memory_space<vmem_shared>> -> memref<1x1920xf32, #tpu.memory_space<vmem_shared>>
    %dma_wait3A_221 = tpu.memref_squeeze %dma_wait3A_220 : memref<1x1920xf32, #tpu.memory_space<vmem_shared>> -> memref<1920xf32, #tpu.memory_space<vmem_shared>>
    %dma_wait3A_222 = tpu.memref_slice %arg13[%dma_wait3A_219, %mul3A_48] : memref<16x28800xf32, #tpu.memory_space<vmem_shared>> -> memref<1x1920xf32, #tpu.memory_space<vmem_shared>>
    %dma_wait3A_223 = tpu.memref_squeeze %dma_wait3A_222 : memref<1x1920xf32, #tpu.memory_space<vmem_shared>> -> memref<1920xf32, #tpu.memory_space<vmem_shared>>
    tpu.wait_dma2 semaphore(%arg15 : memref<!tpu.dma_semaphore, #tpu.memory_space<semaphore_mem>>) src(%dma_wait3A_223 : memref<1920xf32, #tpu.memory_space<vmem_shared>>) dst(%arg11 : memref<1920xf32, #tpu.memory_space<vmem>>)
    %dma_start3A_224 = arith.constant 13 : i32
    %dma_start3A_225 = tpu.memref_slice %arg13[%dma_start3A_224, %mul3A_48] : memref<16x28800xf32, #tpu.memory_space<vmem_shared>> -> memref<1x1920xf32, #tpu.memory_space<vmem_shared>>
    %dma_start3A_226 = tpu.memref_squeeze %dma_start3A_225 : memref<1x1920xf32, #tpu.memory_space<vmem_shared>> -> memref<1920xf32, #tpu.memory_space<vmem_shared>>
    %dma_start3A_227 = tpu.memref_slice %arg13[%dma_start3A_224, %mul3A_48] : memref<16x28800xf32, #tpu.memory_space<vmem_shared>> -> memref<1x1920xf32, #tpu.memory_space<vmem_shared>>
    %dma_start3A_228 = tpu.memref_squeeze %dma_start3A_227 : memref<1x1920xf32, #tpu.memory_space<vmem_shared>> -> memref<1920xf32, #tpu.memory_space<vmem_shared>>
    tpu.enqueue_dma source(%dma_start3A_228 : memref<1920xf32, #tpu.memory_space<vmem_shared>>) target(%arg10 : memref<1920xf32, #tpu.memory_space<vmem>>) target_semaphore(%arg14 : memref<!tpu.dma_semaphore, #tpu.memory_space<semaphore_mem>>)
    %scan3A_229 = arith.constant 0 : i32
    %scan3A_230 = arith.constant 120 : i32
    %scan3A_231 = arith.addi %scan3A_229, %scan3A_230 : i32
    %scan3A_232 = arith.constant 1 : i32
    scf.for %scan3A_274 = %scan3A_229 to %scan3A_231 step %scan3A_232  : i32 {
      %mul3A_275 = arith.constant 16 : i32
      %mul3A_276 = arith.muli %scan3A_274, %mul3A_275 : i32
      %get3A = arith.index_cast %mul3A_276 : i32 to index
      %get3A_277 = tpu.vector_load %arg12[%get3A] {strides = array<i32>} : memref<1920xf32, #tpu.memory_space<vmem>>, vector<16xf32>,
      %get3A_278 = arith.index_cast %mul3A_276 : i32 to index
      %get3A_279 = tpu.vector_load %arg11[%get3A_278] {strides = array<i32>} : memref<1920xf32, #tpu.memory_space<vmem>>, vector<16xf32>,
      %add3A_280 = arith.addf %get3A_277, %get3A_279 : vector<16xf32>
      %swap3A = arith.index_cast %mul3A_276 : i32 to index
      %swap3A_281 = tpu.vector_load %arg12[%swap3A] {strides = array<i32>} : memref<1920xf32, #tpu.memory_space<vmem>>, vector<16xf32>,
      tpu.vector_store %arg12[%swap3A], %add3A_280 {strides = array<i32>} : memref<1920xf32, #tpu.memory_space<vmem>>, vector<16xf32>,
    }
    %scan3A_233 = arith.constant 120 : i32
    %dma_wait3A_234 = arith.constant 13 : i32
    %dma_wait3A_235 = tpu.memref_slice %arg13[%dma_wait3A_234, %mul3A_48] : memref<16x28800xf32, #tpu.memory_space<vmem_shared>> -> memref<1x1920xf32, #tpu.memory_space<vmem_shared>>
    %dma_wait3A_236 = tpu.memref_squeeze %dma_wait3A_235 : memref<1x1920xf32, #tpu.memory_space<vmem_shared>> -> memref<1920xf32, #tpu.memory_space<vmem_shared>>
    %dma_wait3A_237 = tpu.memref_slice %arg13[%dma_wait3A_234, %mul3A_48] : memref<16x28800xf32, #tpu.memory_space<vmem_shared>> -> memref<1x1920xf32, #tpu.memory_space<vmem_shared>>
    %dma_wait3A_238 = tpu.memref_squeeze %dma_wait3A_237 : memref<1x1920xf32, #tpu.memory_space<vmem_shared>> -> memref<1920xf32, #tpu.memory_space<vmem_shared>>
    tpu.wait_dma2 semaphore(%arg14 : memref<!tpu.dma_semaphore, #tpu.memory_space<semaphore_mem>>) src(%dma_wait3A_238 : memref<1920xf32, #tpu.memory_space<vmem_shared>>) dst(%arg10 : memref<1920xf32, #tpu.memory_space<vmem>>)
    %dma_start3A_239 = arith.constant 14 : i32
    %dma_start3A_240 = tpu.memref_slice %arg13[%dma_start3A_239, %mul3A_48] : memref<16x28800xf32, #tpu.memory_space<vmem_shared>> -> memref<1x1920xf32, #tpu.memory_space<vmem_shared>>
    %dma_start3A_241 = tpu.memref_squeeze %dma_start3A_240 : memref<1x1920xf32, #tpu.memory_space<vmem_shared>> -> memref<1920xf32, #tpu.memory_space<vmem_shared>>
    %dma_start3A_242 = tpu.memref_slice %arg13[%dma_start3A_239, %mul3A_48] : memref<16x28800xf32, #tpu.memory_space<vmem_shared>> -> memref<1x1920xf32, #tpu.memory_space<vmem_shared>>
    %dma_start3A_243 = tpu.memref_squeeze %dma_start3A_242 : memref<1x1920xf32, #tpu.memory_space<vmem_shared>> -> memref<1920xf32, #tpu.memory_space<vmem_shared>>
    tpu.enqueue_dma source(%dma_start3A_243 : memref<1920xf32, #tpu.memory_space<vmem_shared>>) target(%arg11 : memref<1920xf32, #tpu.memory_space<vmem>>) target_semaphore(%arg15 : memref<!tpu.dma_semaphore, #tpu.memory_space<semaphore_mem>>)
    %scan3A_244 = arith.constant 0 : i32
    %scan3A_245 = arith.constant 120 : i32
    %scan3A_246 = arith.addi %scan3A_244, %scan3A_245 : i32
    %scan3A_247 = arith.constant 1 : i32
    scf.for %scan3A_274 = %scan3A_244 to %scan3A_246 step %scan3A_247  : i32 {
      %mul3A_275 = arith.constant 16 : i32
      %mul3A_276 = arith.muli %scan3A_274, %mul3A_275 : i32
      %get3A = arith.index_cast %mul3A_276 : i32 to index
      %get3A_277 = tpu.vector_load %arg12[%get3A] {strides = array<i32>} : memref<1920xf32, #tpu.memory_space<vmem>>, vector<16xf32>,
      %get3A_278 = arith.index_cast %mul3A_276 : i32 to index
      %get3A_279 = tpu.vector_load %arg10[%get3A_278] {strides = array<i32>} : memref<1920xf32, #tpu.memory_space<vmem>>, vector<16xf32>,
      %add3A_280 = arith.addf %get3A_277, %get3A_279 : vector<16xf32>
      %swap3A = arith.index_cast %mul3A_276 : i32 to index
      %swap3A_281 = tpu.vector_load %arg12[%swap3A] {strides = array<i32>} : memref<1920xf32, #tpu.memory_space<vmem>>, vector<16xf32>,
      tpu.vector_store %arg12[%swap3A], %add3A_280 {strides = array<i32>} : memref<1920xf32, #tpu.memory_space<vmem>>, vector<16xf32>,
    }
    %scan3A_248 = arith.constant 120 : i32
    %dma_wait3A_249 = arith.constant 14 : i32
    %dma_wait3A_250 = tpu.memref_slice %arg13[%dma_wait3A_249, %mul3A_48] : memref<16x28800xf32, #tpu.memory_space<vmem_shared>> -> memref<1x1920xf32, #tpu.memory_space<vmem_shared>>
    %dma_wait3A_251 = tpu.memref_squeeze %dma_wait3A_250 : memref<1x1920xf32, #tpu.memory_space<vmem_shared>> -> memref<1920xf32, #tpu.memory_space<vmem_shared>>
    %dma_wait3A_252 = tpu.memref_slice %arg13[%dma_wait3A_249, %mul3A_48] : memref<16x28800xf32, #tpu.memory_space<vmem_shared>> -> memref<1x1920xf32, #tpu.memory_space<vmem_shared>>
    %dma_wait3A_253 = tpu.memref_squeeze %dma_wait3A_252 : memref<1x1920xf32, #tpu.memory_space<vmem_shared>> -> memref<1920xf32, #tpu.memory_space<vmem_shared>>
    tpu.wait_dma2 semaphore(%arg15 : memref<!tpu.dma_semaphore, #tpu.memory_space<semaphore_mem>>) src(%dma_wait3A_253 : memref<1920xf32, #tpu.memory_space<vmem_shared>>) dst(%arg11 : memref<1920xf32, #tpu.memory_space<vmem>>)
    %dma_start3A_254 = arith.constant 15 : i32
    %dma_start3A_255 = tpu.memref_slice %arg13[%dma_start3A_254, %mul3A_48] : memref<16x28800xf32, #tpu.memory_space<vmem_shared>> -> memref<1x1920xf32, #tpu.memory_space<vmem_shared>>
    %dma_start3A_256 = tpu.memref_squeeze %dma_start3A_255 : memref<1x1920xf32, #tpu.memory_space<vmem_shared>> -> memref<1920xf32, #tpu.memory_space<vmem_shared>>
    %dma_start3A_257 = tpu.memref_slice %arg13[%dma_start3A_254, %mul3A_48] : memref<16x28800xf32, #tpu.memory_space<vmem_shared>> -> memref<1x1920xf32, #tpu.memory_space<vmem_shared>>
    %dma_start3A_258 = tpu.memref_squeeze %dma_start3A_257 : memref<1x1920xf32, #tpu.memory_space<vmem_shared>> -> memref<1920xf32, #tpu.memory_space<vmem_shared>>
    tpu.enqueue_dma source(%dma_start3A_258 : memref<1920xf32, #tpu.memory_space<vmem_shared>>) target(%arg10 : memref<1920xf32, #tpu.memory_space<vmem>>) target_semaphore(%arg14 : memref<!tpu.dma_semaphore, #tpu.memory_space<semaphore_mem>>)
    %scan3A_259 = arith.constant 0 : i32
    %scan3A_260 = arith.constant 120 : i32
    %scan3A_261 = arith.addi %scan3A_259, %scan3A_260 : i32
    %scan3A_262 = arith.constant 1 : i32
    scf.for %scan3A_274 = %scan3A_259 to %scan3A_261 step %scan3A_262  : i32 {
      %mul3A_275 = arith.constant 16 : i32
      %mul3A_276 = arith.muli %scan3A_274, %mul3A_275 : i32
      %get3A = arith.index_cast %mul3A_276 : i32 to index
      %get3A_277 = tpu.vector_load %arg12[%get3A] {strides = array<i32>} : memref<1920xf32, #tpu.memory_space<vmem>>, vector<16xf32>,
      %get3A_278 = arith.index_cast %mul3A_276 : i32 to index
      %get3A_279 = tpu.vector_load %arg11[%get3A_278] {strides = array<i32>} : memref<1920xf32, #tpu.memory_space<vmem>>, vector<16xf32>,
      %add3A_280 = arith.addf %get3A_277, %get3A_279 : vector<16xf32>
      %swap3A = arith.index_cast %mul3A_276 : i32 to index
      %swap3A_281 = tpu.vector_load %arg12[%swap3A] {strides = array<i32>} : memref<1920xf32, #tpu.memory_space<vmem>>, vector<16xf32>,
      tpu.vector_store %arg12[%swap3A], %add3A_280 {strides = array<i32>} : memref<1920xf32, #tpu.memory_space<vmem>>, vector<16xf32>,
    }
    %scan3A_263 = arith.constant 120 : i32
    %dma_wait3A_264 = arith.constant 15 : i32
    %dma_wait3A_265 = tpu.memref_slice %arg13[%dma_wait3A_264, %mul3A_48] : memref<16x28800xf32, #tpu.memory_space<vmem_shared>> -> memref<1x1920xf32, #tpu.memory_space<vmem_shared>>
    %dma_wait3A_266 = tpu.memref_squeeze %dma_wait3A_265 : memref<1x1920xf32, #tpu.memory_space<vmem_shared>> -> memref<1920xf32, #tpu.memory_space<vmem_shared>>
    %dma_wait3A_267 = tpu.memref_slice %arg13[%dma_wait3A_264, %mul3A_48] : memref<16x28800xf32, #tpu.memory_space<vmem_shared>> -> memref<1x1920xf32, #tpu.memory_space<vmem_shared>>
    %dma_wait3A_268 = tpu.memref_squeeze %dma_wait3A_267 : memref<1x1920xf32, #tpu.memory_space<vmem_shared>> -> memref<1920xf32, #tpu.memory_space<vmem_shared>>
    tpu.wait_dma2 semaphore(%arg14 : memref<!tpu.dma_semaphore, #tpu.memory_space<semaphore_mem>>) src(%dma_wait3A_268 : memref<1920xf32, #tpu.memory_space<vmem_shared>>) dst(%arg10 : memref<1920xf32, #tpu.memory_space<vmem>>)
    %scan3A_269 = arith.constant 0 : i32
    %scan3A_270 = arith.constant 120 : i32
    %scan3A_271 = arith.addi %scan3A_269, %scan3A_270 : i32
    %scan3A_272 = arith.constant 1 : i32
    scf.for %scan3A_274 = %scan3A_269 to %scan3A_271 step %scan3A_272  : i32 {
      %mul3A_275 = arith.constant 16 : i32
      %mul3A_276 = arith.muli %scan3A_274, %mul3A_275 : i32
      %get3A = arith.index_cast %mul3A_276 : i32 to index
      %get3A_277 = tpu.vector_load %arg12[%get3A] {strides = array<i32>} : memref<1920xf32, #tpu.memory_space<vmem>>, vector<16xf32>,
      %get3A_278 = arith.index_cast %mul3A_276 : i32 to index
      %get3A_279 = tpu.vector_load %arg10[%get3A_278] {strides = array<i32>} : memref<1920xf32, #tpu.memory_space<vmem>>, vector<16xf32>,
      %add3A_280 = arith.addf %get3A_277, %get3A_279 : vector<16xf32>
      %swap3A = arith.index_cast %mul3A_276 : i32 to index
      %swap3A_281 = tpu.vector_load %arg12[%swap3A] {strides = array<i32>} : memref<1920xf32, #tpu.memory_space<vmem>>, vector<16xf32>,
      tpu.vector_store %arg12[%swap3A], %add3A_280 {strides = array<i32>} : memref<1920xf32, #tpu.memory_space<vmem>>, vector<16xf32>,
    }
    %scan3A_273 = arith.constant 120 : i32
    "tpu.region"() ({
      %run_scoped3A_274 = tpu.sem_alloc : memref<!tpu.dma_semaphore, #tpu.memory_space<semaphore_mem>>
      %dma_start3A_275 = tpu.memref_slice %arg4[%arg0, %mul3A_48] : memref<2x28800xf32, #tpu.memory_space<hbm>> -> memref<1x1920xf32, #tpu.memory_space<hbm>>
      %dma_start3A_276 = tpu.memref_squeeze %dma_start3A_275 : memref<1x1920xf32, #tpu.memory_space<hbm>> -> memref<1920xf32, #tpu.memory_space<hbm>>
      %dma_start3A_277 = tpu.memref_slice %arg4[%arg0, %mul3A_48] : memref<2x28800xf32, #tpu.memory_space<hbm>> -> memref<1x1920xf32, #tpu.memory_space<hbm>>
      %dma_start3A_278 = tpu.memref_squeeze %dma_start3A_277 : memref<1x1920xf32, #tpu.memory_space<hbm>> -> memref<1920xf32, #tpu.memory_space<hbm>>
      tpu.enqueue_dma source(%arg12 : memref<1920xf32, #tpu.memory_space<vmem>>) target(%dma_start3A_278 : memref<1920xf32, #tpu.memory_space<hbm>>) target_semaphore(%run_scoped3A_274 : memref<!tpu.dma_semaphore, #tpu.memory_space<semaphore_mem>>)
      %dma_wait3A_279 = tpu.memref_slice %arg4[%arg0, %mul3A_48] : memref<2x28800xf32, #tpu.memory_space<hbm>> -> memref<1x1920xf32, #tpu.memory_space<hbm>>
      %dma_wait3A_280 = tpu.memref_squeeze %dma_wait3A_279 : memref<1x1920xf32, #tpu.memory_space<hbm>> -> memref<1920xf32, #tpu.memory_space<hbm>>
      %dma_wait3A_281 = tpu.memref_slice %arg4[%arg0, %mul3A_48] : memref<2x28800xf32, #tpu.memory_space<hbm>> -> memref<1x1920xf32, #tpu.memory_space<hbm>>
      %dma_wait3A_282 = tpu.memref_squeeze %dma_wait3A_281 : memref<1x1920xf32, #tpu.memory_space<hbm>> -> memref<1920xf32, #tpu.memory_space<hbm>>
      tpu.wait_dma2 semaphore(%run_scoped3A_274 : memref<!tpu.dma_semaphore, #tpu.memory_space<semaphore_mem>>) src(%arg12 : memref<1920xf32, #tpu.memory_space<vmem>>) dst(%dma_wait3A_282 : memref<1920xf32, #tpu.memory_space<hbm>>)
      tpu.yield
    }) : () -> ()
    return
  }
}

module attributes {stable_mosaic.version = 14 : i64} {
  func.func @_tc_body(%arg0: memref<2x1800x16xf32, #tpu.memory_space<vmem>>, %arg1: memref<1x21xf32, #tpu.memory_space<vmem>>, %arg2: memref<1800x6xf32, #tpu.memory_space<vmem>>) attributes {dimension_semantics = [], scalar_prefetch = 0 : i64, scratch_operands = 0 : i64, tpu.core_type = #tpu.core_type<tc>} {
    %get3A = arith.constant 0 : index
    %get3A_0 = arith.constant 0 : index
    %get3A_1 = arith.constant 0 : index
    %get3A_2 = vector.load %arg0[%get3A, %get3A_0, %get3A_1] : memref<2x1800x16xf32, #tpu.memory_space<vmem>>, vector<1x1800x16xf32>
    %get3A_3 = vector.shape_cast %get3A_2 : vector<1x1800x16xf32> to vector<1800x16xf32>
    %get3A_4 = arith.constant 1 : index
    %get3A_5 = arith.constant 0 : index
    %get3A_6 = arith.constant 0 : index
    %get3A_7 = vector.load %arg0[%get3A_4, %get3A_5, %get3A_6] : memref<2x1800x16xf32, #tpu.memory_space<vmem>>, vector<1x1800x16xf32>
    %get3A_8 = vector.shape_cast %get3A_7 : vector<1x1800x16xf32> to vector<1800x16xf32>
    %add3A = arith.addf %get3A_3, %get3A_8 : vector<1800x16xf32>
    %get3A_9 = arith.constant 0 : index
    %get3A_10 = arith.constant 0 : index
    %get3A_11 = vector.load %arg1[%get3A_9, %get3A_10] : memref<1x21xf32, #tpu.memory_space<vmem>>, vector<1x21xf32>
    %slice3A = vector.extract_strided_slice %get3A_11 {offsets = [0, 5], sizes = [1, 16], strides = [1, 1]} : vector<1x21xf32> to vector<1x16xf32>
    %slice3A_12 = vector.extract_strided_slice %get3A_11 {offsets = [0, 4], sizes = [1, 16], strides = [1, 1]} : vector<1x21xf32> to vector<1x16xf32>
    %slice3A_13 = vector.extract_strided_slice %get3A_11 {offsets = [0, 3], sizes = [1, 16], strides = [1, 1]} : vector<1x21xf32> to vector<1x16xf32>
    %slice3A_14 = vector.extract_strided_slice %get3A_11 {offsets = [0, 2], sizes = [1, 16], strides = [1, 1]} : vector<1x21xf32> to vector<1x16xf32>
    %slice3A_15 = vector.extract_strided_slice %get3A_11 {offsets = [0, 1], sizes = [1, 16], strides = [1, 1]} : vector<1x21xf32> to vector<1x16xf32>
    %slice3A_16 = vector.extract_strided_slice %get3A_11 {offsets = [0, 0], sizes = [1, 16], strides = [1, 1]} : vector<1x21xf32> to vector<1x16xf32>
    %concatenate3A = tpu.concatenate %slice3A, %slice3A_12, %slice3A_13, %slice3A_14, %slice3A_15, %slice3A_16 in 0 : vector<1x16xf32>, vector<1x16xf32>, vector<1x16xf32>, vector<1x16xf32>, vector<1x16xf32>, vector<1x16xf32> -> vector<6x16xf32>
    %dot_general3A = arith.constant dense<0.000000e+00> : vector<1800x6xf32>
    %dot_general3A_17 = tpu.matmul %add3A, %concatenate3A, %dot_general3A {dimension_numbers = #tpu.dot_dimension_numbers<[1], [1], [0], [0], [0, 0, 1, 0], [], []>, transpose_lhs_hint = false} : vector<1800x16xf32>, vector<6x16xf32>, vector<1800x6xf32> -> vector<1800x6xf32>
    %swap3A = arith.constant 0 : index
    %swap3A_18 = arith.constant 0 : index
    %swap3A_19 = vector.load %arg2[%swap3A, %swap3A_18] : memref<1800x6xf32, #tpu.memory_space<vmem>>, vector<1800x6xf32>
    tpu.vector_store %arg2[%swap3A, %swap3A_18], %dot_general3A_17 {strides = array<i32>} : memref<1800x6xf32, #tpu.memory_space<vmem>>, vector<1800x6xf32>,
    return
  }
}

</mosaic_0001>

<sc_bundles>
// kernel: kernel.4.cloned.1.call-start
scs
__scs_entry_jumppad:
0x0: {  	(pc) =	sbr.rel $0x88, $3  }
0x1: {  	(tag) =	ssettag $0x0;
	lr =	simm.s32 $0x1  }
0x2: {  	[smem:$0x3F9E] =	sst lr;
	_ =	strace $0xD0000000  }
0x3: {  	_ = 	snop  }
0x4: {  	_ = 	snop  }
0x5: {  	_ = 	snop  }
0x6: {  	_ = 	snop  }
0x7: {  	_ = 	snop  }
__scs_overlays_trampoline_lowered:
0x8: {  	[smem:$0x3FAD] =	sst s0  }
0x9: {  	[smem:$0x3FAE] =	sst s1  }
0xa: {  	[smem:$0x3FAF] =	sst s2  }
0xb: {  	[smem:$0x3FB0] =	sst s3  }
0xc: {  	[smem:$0x3FB1] =	sst s4  }
0xd: {  	[smem:$0x3FB2] =	sst s5  }
0xe: {  	[smem:$0x3FB3] =	sst s6  }
0xf: {  	[smem:$0x3FB4] =	sst s7  }
0x10: {  	[smem:$0x3FB5] =	sst s8  }
0x11: {  	[smem:$0x3FB6] =	sst s9;
	s0 =	simm.s32 @!p0 $0x0  }
0x12: {  	s1 =	sld [smem:$0x3F9C];
	s0 =	simm.s32 @p0 $0x1  }
0x13: {  	[smem:$0x3FB7] =	sst s0;
	s0 =	simm.s32 @!p1 $0x0  }
0x14: {  	s2 =	sld [smem:$0x3F9B];
	s0 =	simm.s32 @p1 $0x1  }
0x15: {  	[smem:$0x3FB8] =	sst s0;
	s0 =	simm.s32 @!p2 $0x0  }
0x16: {  	s3 =	sld [smem:$0x3FDB];
	s0 =	simm.s32 @p2 $0x1  }
0x17: {  	s4 =	simm.s32 $0x1BF5;
	[smem:$0x3FBA] =	sst s0  }
0x18: {  	s0 =	sld [smem:$0x3F9D];
	_ =	swait.ge [sflag:s4], $0x0  }
0x19: {  	s7 =	sld [smem:$0x3F9E]  }
0x1a: {  	s8 =	sadd.s32 $0xFFFFE003, lr  }
0x1b: {  	s9 =	sadd.s32 $0xFFFFFEF7, lr;
	s5 =	simm.s32 $0xFFFFFFFF;
	p2 =	slt.u32 s8, $0xFFFFF086  }
0x1c: {  	p1 =	slt.u32 s9, $0xF7A;
	s5 =	simm.s32 @!p2 $0x0  }
0x1d: {  	s5 =	simm.s32 @p1 $0x1;
	p0 =	seq.s32 s7, s2  }
0x1e: {  	s7 =	smul.u32 @!p0 $0xF7A, s2;
	p2 =	seq.s32 @!p0 s5, $0x0  }
0x1f: {  	s9 =	smul.u32 $0xF7A, s1;
	s8 =	simm.s32 @!p0 $0x1BF5;
	p2 =	por !p2, p0  }
0x20: {  	[sflag:s8] =	ssyncset.s32 @!p0 $0xFFFFF086;
	s6 =	sadd.s32 @!p0 s3, s7;
	s7 =	simm.s32 @!p0 $0x108  }
0x21: {  	s3 =	sadd.s32 s3, s9;
	s6 =	sadd.s32 @!p0 $0x88, s6;
	s7 =	simm.s32 @p2 $0x1082  }
0x22: {  	[simem:s7], [sflag:s8] =	dma.local @!p0 [hbm:s6], $0xF7A  }
0x23: {  	s9 =	sor.u32 $0xD0000000, s2;
	s6 =	simm.s32 $0x108;
	_ =	swait.ge @!p0 [sflag:s8], $0x0  }
0x24: {  	s3 =	sadd.s32 $0x88, s3;
	s6 =	simm.s32 @!p1 $0x1082;
	[sflag:s4] =	ssyncset.s32 $0xFFFFF086  }
0x25: {  	[simem:s6], [sflag:s4] =	dma.local [hbm:s3], $0xF7A  }
0x26: {  	[smem:$0x3F9E] =	sst s1;
	(tag) =	ssettag s2;
	_ =	strace s9  }
0x27: {  	s1 =	sld [smem:$0x3FAE]  }
0x28: {  	s2 =	sld [smem:$0x3FAF]  }
0x29: {  	s4 =	sld [smem:$0x3FB1]  }
0x2a: {  	p0 =	seq.s32 s5, $0x0;
	s5 =	sld [smem:$0x3FB2]  }
0x2b: {  	s6 =	sld [smem:$0x3FB3]  }
0x2c: {  	s7 =	sld [smem:$0x3FB4]  }
0x2d: {  	s3 =	simm.s32 $0x108;
	s8 =	sld [smem:$0x3FB5]  }
0x2e: {  	s3 =	simm.s32 @!p0 $0x1082;
	s9 =	sld [smem:$0x3FB6]  }
0x2f: {  	lr =	sadd.s32 s0, s3;
	s0 =	sld [smem:$0x3FAD]  }
0x30: {  	s3 =	sld [smem:$0x3FB0]  }
0x31: {  	[smem:$0x3FB9] =	sst s10  }
0x32: {  	s10 =	sld [smem:$0x3FB7];
	_ =	sdelay $0x3  }
0x33: {  	p0 =	seq.s32 s10, $0x1;
	s10 =	sld [smem:$0x3FB9];
	_ =	sdelay $0x3  }
0x34: {  	[smem:$0x3FB9] =	sst s10  }
0x35: {  	s10 =	sld [smem:$0x3FB8];
	_ =	sdelay $0x3  }
0x36: {  	p1 =	seq.s32 s10, $0x1;
	s10 =	sld [smem:$0x3FB9];
	_ =	sdelay $0x3  }
0x37: {  	[smem:$0x3FB9] =	sst s10  }
0x38: {  	s10 =	sld [smem:$0x3FBA]  }
0x39: {  	_ = 	snop;
	(pc) =	sbr.ind lr, $3  }
0x3a: {  	_ = 	snop  }
0x3b: {  	_ = 	snop  }
0x3c: {  	p2 =	seq.s32 s10, $0x1;
	s10 =	sld [smem:$0x3FB9]  }
0x3d: {  	_ =	shalt  }
0x3e: {  	_ =	shalt  }
0x3f: {  	_ =	shalt  }
0x40: {  	_ =	shalt  }
0x41: {  	_ =	shalt  }
0x42: {  	_ =	shalt  }
0x43: {  	_ =	shalt  }
0x44: {  	_ =	shalt  }
0x45: {  	_ =	shalt  }
0x46: {  	_ =	shalt  }
0x47: {  	_ =	shalt  }
0x48: {  	_ =	shalt  }
0x49: {  	_ =	shalt  }
0x4a: {  	_ =	shalt  }
0x4b: {  	_ =	shalt  }
0x4c: {  	_ =	shalt  }
0x4d: {  	_ =	shalt  }
0x4e: {  	_ =	shalt  }
0x4f: {  	_ =	shalt  }
0x50: {  	_ =	shalt  }
0x51: {  	_ =	shalt  }
0x52: {  	_ =	shalt  }
0x53: {  	_ =	shalt  }
0x54: {  	_ =	shalt  }
0x55: {  	_ =	shalt  }
0x56: {  	_ =	shalt  }
0x57: {  	_ =	shalt  }
0x58: {  	_ =	shalt  }
0x59: {  	_ =	shalt  }
0x5a: {  	_ =	shalt  }
0x5b: {  	_ =	shalt  }
0x5c: {  	_ =	shalt  }
0x5d: {  	_ =	shalt  }
0x5e: {  	_ =	shalt  }
0x5f: {  	_ =	shalt  }
0x60: {  	_ =	shalt  }
0x61: {  	_ =	shalt  }
0x62: {  	_ =	shalt  }
0x63: {  	_ =	shalt  }
0x64: {  	_ =	shalt  }
0x65: {  	_ =	shalt  }
0x66: {  	_ =	shalt  }
0x67: {  	_ =	shalt  }
0x68: {  	_ =	shalt  }
0x69: {  	_ =	shalt  }
0x6a: {  	_ =	shalt  }
0x6b: {  	_ =	shalt  }
0x6c: {  	_ =	shalt  }
0x6d: {  	_ =	shalt  }
0x6e: {  	_ =	shalt  }
0x6f: {  	_ =	shalt  }
0x70: {  	_ =	shalt  }
0x71: {  	_ =	shalt  }
0x72: {  	_ =	shalt  }
0x73: {  	_ =	shalt  }
0x74: {  	_ =	shalt  }
0x75: {  	_ =	shalt  }
0x76: {  	_ =	shalt  }
0x77: {  	_ =	shalt  }
0x78: {  	_ =	shalt  }
0x79: {  	_ =	shalt  }
0x7a: {  	_ =	shalt  }
0x7b: {  	_ =	shalt  }
0x7c: {  	_ =	shalt  }
0x7d: {  	_ =	shalt  }
0x7e: {  	_ =	shalt  }
0x7f: {  	_ =	shalt  }
0x80: {  	_ =	shalt  }
0x81: {  	_ =	shalt  }
0x82: {  	_ =	shalt  }
0x83: {  	_ =	shalt  }
0x84: {  	_ =	shalt  }
0x85: {  	_ =	shalt  }
0x86: {  	_ =	shalt  }
0x87: {  	_ =	shalt  }
.Lfunc_end0:
.L_simem_size_0:
called_computation_lowered:
.L_overlay_start_0:
0x88: {  	s2 =	sld [smem:$0x3FD9]  }
0x89: {  	s3 =	sld [smem:$0x3FFE];
	_ =	sdelay $0x1  }
0x8a: {  	s1 =	srdreg.scid  }
0x8b: {  	s0 =	sand.u32 $0x1, s1  }
0x8c: {  	s17 =	sshll.u32 s0, $0xA;
	s2 =	sadd.s32 s3, s2  }
0x8d: {  	s2 =	sadd.s32 s2, s17  }
0x8e: {  	[smem:$0x3FC5] =	sst s2  }
0x8f: {  	_ = 	snop  }
0x90: {  	s2 =	sld [smem:$0x3FC8];
	(tm) =	ssettm $0x1  }
0x91: {  	s18 =	sld [smem:$0x3FFB];
	_ =	sdelay $0x3  }
0x92: {  	_ =	strace s18  }
0x93: {  	s3 =	sld [smem:$0x3FFC];
	_ =	sdelay $0x3  }
0x94: {  	_ =	strace s3  }
0x95: {  	s3 =	sld [smem:$0x3FFD];
	_ =	sdelay $0x3  }
0x96: {  	_ =	strace s3  }
0x97: {  	_ =	strace $0x8FFFFFFF  }
0x98: {  	s19 =	sld [smem:$0x3FDB];
	_ =	sdelay $0x1  }
0x99: {  	s4 =	simm.s32 $_scs_section_size  }
0x9a: {  	s5 =	simm.s32 $_size__tile_overlayer_lowered;
	s6 =	simm.s32 $_tile_overlayer_lowered  }
0x9b: {  	s22 =	simm.s32 $0x1BFF;
	s21 =	sshll.u32 s6, $0x1;
	s3 =	sadd.s32 s4, s19  }
0x9c: {  	s7 =	simm.s32 $0x0;
	s20 =	sshll.u32 s5, $0x1;
	s5 =	sadd.s32 s21, s3  }
0x9d: {  	[timem:s7], [sflag:s22] =	dma.local [hbm:s5], s20  }
0x9e: {  	_ =	swait.ge [sflag:s22], s20  }
0x9f: {  	s4 =	ssub.s32 $0x0, s20;
	[sflag:s22] =	ssyncset.done $0x0  }
0xa0: {  	[sflag:s22] =	ssyncadd.s32 s4;
	_ =	sdelay $0x1  }
0xa1: {  	s23 =	simm.s32 $0x1B8B  }
0xa2: {  	_ =	swait.ge [sflag:s23], $0x1  }
0xa3: {  	[sflag:s23] =	ssyncset.done $0x0  }
0xa4: {  	s25 =	simm.s32 $0x1B8E;
	s24 =	sld [smem:$0x3FFE];
	[sflag:s23] =	ssyncadd.s32 $0xFFFFFFFF  }
0xa5: {  	s26 =	simm.s32 $execute0_lowered;
	[smem:$0x3FD2] =	sst s25  }
0xa6: {  	s5 =	sshll.u32 s26, $0x1;
	_ =	strace $0x80000046;
	[dreg:$0x1] =	wrdreg $0xFFFFFFFF  }
0xa7: {  	s28 =	simm.s32 $_size_execute0_lowered;
	s3 =	sadd.s32 s3, s5;
	[dreg:$0x0] =	wrdreg $0x0  }
0xa8: {  	s5 =	sshll.u32 s28, $0x1;
	[dreg:$0x2] =	wrdreg s3  }
0xa9: {  	[dreg:$0x3] =	wrdreg s5  }
0xaa: {  	[dreg:$0x4] =	wrdreg $0xC0  }
0xab: {  	_ =	task [dreg:s7], $0x5FFFF  }
0xac: {  	[dreg:$0x1] =	wrdreg $0xFFFFFFFF  }
0xad: {  	[dreg:$0x0] =	wrdreg $0x60  }
0xae: {  	[dreg:$0x2] =	wrdreg s24  }
0xaf: {  	[dreg:$0x3] =	wrdreg s2  }
0xb0: {  	[dreg:$0x4] =	wrdreg $0x17B000  }
0xb1: {  	[dreg:$0x5] =	wrdreg $0x9  }
0xb2: {  	_ =	task.clear_ibuf [dreg:s7], $0x6FFFF;
	_ =	strace $0x90000046  }
0xb3: {  	s29 =	simm.s32 $0x9;
	_ =	strace $0x80000048  }
0xb4: {  	_ =	swait.ge [sflag:s29], $0x1  }
0xb5: {  	[sflag:s29] =	ssyncadd.s32 $0xFFFFFFFF  }
0xb6: {  	_ =	strace $0x90000048  }
0xb7: {  	_ =	sfence  }
0xb8: {  	s30 =	sld [smem:$0x0];
	_ =	sdelay $0x2  }
0xb9: {  	s31 =	sshll.u32 s1, $0xD;
	s1 =	sshrl.u32 s1, $0x2  }
0xba: {  	s3 =	sand.u32 $0x4000, s31;
	s1 =	sadd.s32 s1, s30  }
0xbb: {  	s0 =	sor.u32 s3, s0;
	s1 =	sshll.u32 s1, $0x11  }
0xbc: {  	s0 =	sor.u32 s1, s0  }
0xbd: {  	s0 =	sadd.s32 $0x8F2B, s0  }
0xbe: {  	[sflag:s0] =	ssyncadd.remote.s32 $0x1  }
0xbf: {  	_ =	sfence.sel $0xFFFF  }
0xc0: {  	[dreg:$0x0] =	wrdreg $0xFFFFFFFF;
	(pc) =	sbr.abs _section_cstart, $3  }
0xc1: {  	[dreg:$0x1] =	wrdreg $0xFFFFFFFF  }
0xc2: {  	_ =	task.clear_ibuf [dreg:s7], $0x2FFFF;
	_ =	strace $0x9FFFFFFF  }
0xc3: {  	(tm) =	ssettm $0x7FFFFFFF  }
tec
execute0_lowered:
.L_overlay_start_1:
0x0: {  	(tag) =	ssettag $0x1  }
0x1: {  	s0 =	rddreg [dreg:$0x0]  }
0x2: {  	s2 =	rddreg [dreg:$0x1]  }
0x3: {  	s1 =	rddreg [dreg:$0x2]  }
0x4: {  	s3 =	srdreg.scid;
	s13 =	stileid.u32  }
0x5: {  	s4 =	sand.u32 $0x1, s3;
	s5 =	sshll.u32 s13, $0x1;
	s6 =	smul.u32 $0xE00, s13  }
0x6: {  	s3 =	simm.s32 $0x0;
	s25 =	sshrl.u32 s13, $0x3;
	s12 =	smul.u32 $0xE000, s13  }
0x7: {  	s29 =	sshll.u32 s13, $0x7;
	s5 =	sor.u32 s4, s5;
	[smem:$0x7FF] =	sst s3  }
0x8: {  	s8 =	sshll.u32 s4, $0x7;
	s20 =	ssub.s32 $0x2, s4;
	s11 =	smul.u32 $0xE1000, s25  }
0x9: {  	s4 =	sadd.s32 $0x600, s0;
	s7 =	smul.u32 $0x3D0, s5;
	_ =	strace $0x80000047  }
0xa: {  	s5 =	smin.u32 s5, $0x12;
	s6 =	sor.u32 s8, s6;
	s22 =	sshrl.u32 s20, $0x1  }
0xb: {  	s21 =	sshrl.u32 s6, $0x3;
	s6 =	ssub.s32 s20, s22;
	s30 =	sshrl.u32 s11, $0x2  }
0xc: {  	s9 =	sadd.s32 s5, s7;
	s0 =	sadd.s32 s21, s0;
	s25 =	smax.u32 s6, $0x1  }
0xd: {  	s7 =	smul.u32 $0x30, s9;
	s24 =	sshll.u32 s9, $0x4;
	s8 =	sadd.s32 $0x7A, s9  }
0xe: {  	s0 =	sadd.s32 $0x16EA00, s0;
	[dreg:$0x16] =	wrdreg s25;
	s10 =	sadd.s32 s2, s24  }
0xf: {  	s26 =	sadd.s32 $0x3D00, s24;
	[dreg:$0x15] =	wrdreg s0;
	s23 =	sadd.s32 s4, s7  }
0x10: {  	[dreg:$0x5] =	wrdreg s10;
	s7 =	sadd.s32 $0x3D, s9;
	s10 =	sand.u32 $0x1FFFFFF0, s26  }
0x11: {  	s9 =	sand.u32 $0x380, s29;
	[dreg:$0x4] =	wrdreg s23;
	s5 =	sadd.s32 $0xB700, s23  }
0x12: {  	s28 =	sadd.s32 s2, s10;
	s10 =	sadd.s32 s30, s1;
	[dreg:$0x6] =	wrdreg s5  }
0x13: {  	[dreg:$0x7] =	wrdreg s28;
	s5 =	sshrl.u32 s12, $0x2;
	s12 =	sadd.s32 s9, s10  }
0x14: {  	s1 =	sadd.s32 s5, s1;
	[dreg:$0x9] =	wrdreg s12  }
0x15: {  	s14 =	sadd.s32 $0x80, s1;
	[dreg:$0x8] =	wrdreg s1  }
0x16: {  	s15 =	sadd.s32 $0x100, s1;
	[dreg:$0xa] =	wrdreg s14  }
0x17: {  	s16 =	sadd.s32 $0x180, s1;
	[dreg:$0xb] =	wrdreg s15  }
0x18: {  	v0 =	vimm.f32 $2.000000000e+00;
	s17 =	sadd.s32 $0x200, s1;
	[dreg:$0xc] =	wrdreg s16  }
0x19: {  	(erf) = vrcp.f32 v0;
	v0 =	vimm.f32 $1.200000050e+00;
	s18 =	sadd.s32 $0x280, s1;
	[dreg:$0xd] =	wrdreg s17  }
0x1a: {  	(erf) = vrcp.f32 v0;
	v0 =	vimm.f32 $1.875000000e-01;
	s19 =	sadd.s32 $0x300, s1;
	[dreg:$0xe] =	wrdreg s18  }
0x1b: {  	s31 =	simm.s32 $0xB700;
	(erf) = vrcp.f32 v0;
	s20 =	sadd.s32 $0x380, s1;
	[dreg:$0xf] =	wrdreg s19  }
0x1c: {  	p0 =	sgt.u32 s13, $0x8;
	s21 =	sadd.s32 $0x38400, s1;
	[dreg:$0x10] =	wrdreg s20  }
0x1d: {  	s13 =	simm.s32 $0x80;
	s22 =	sadd.s32 $0x38480, s1;
	[dreg:$0x11] =	wrdreg s21  }
0x1e: {  	s6 =	simm.s32 $0x2;
	s23 =	sadd.s32 $0x38500, s1;
	[dreg:$0x12] =	wrdreg s22  }
0x1f: {  	s0 =	simm.s32 $0x5B80;
	s24 =	sadd.s32 $0x38580, s1;
	[dreg:$0x13] =	wrdreg s23  }
0x20: {  	s9 =	simm.s32 $0x1;
	s26 =	sadd.s32 $0x38600, s1;
	[dreg:$0x14] =	wrdreg s24  }
0x21: {  	s10 =	simm.s32 $0xF400;
	s28 =	sadd.s32 $0x38680, s1;
	[dreg:$0x17] =	wrdreg s26  }
0x22: {  	s12 =	simm.s32 $0x3;
	s29 =	sadd.s32 $0x38700, s1;
	[dreg:$0x18] =	wrdreg s28;
	v0 =	vpop (erf)  }
0x23: {  	s30 =	sadd.s32 $0x38780, s1;
	s1 =	simm.s32 $0xD580;
	[dreg:$0x19] =	wrdreg s29;
	v1 =	vpop (erf)  }
0x24: {  	v3 =	vimm.f32 $0.0e+00;
	[dreg:$0x1a] =	wrdreg s30;
	s14 =	simm.s32 $0x400;
	s18 =	simm.s32 $0x0;
	v2 =	vpop (erf)  }
.LBB2_1:
0x25: {  	s15 =	simm.s32 $0x40;
	s19 =	simm.s32 $0x0  }
.LBB2_2:
0x26: {  	p1 =	sne.s32 s15, $0x1C1C0;
	[tilespmem:s19+$0xF400] =	vst v3;
	s19 =	smov.u32 s15;
	s15 =	sadd.s32 $0x40, s15  }
.Ltmp0:
0x27: {  	(pc) =	sbr.rel @p1 .LBB2_2-.Ltmp0, $2  }
0x28: {  	_ =	sdelay $0x2  }
0x29: {  	s19 =	sshra.s32 s19, $0x2  }
0x2a: {  	[tilespmem:s19+$0xF400] =	vst v3;
	s19 =	simm.s32 $0x0;
	s5 =	rddreg [dreg:$0x4]  }
0x2b: {  	[tilespmem:s19], [sflag:$0x1] =	stream.linear.gather [hbm4b:s5+s19], $0x5B80, $0x38;
	[tilespmem:$0x1EB80] =	vst v63  }
0x2c: {  	s30 =	rddreg [dreg:$0x5]  }
0x2d: {  	[tilespmem:s31], [sflag:$0x1] =	stream.linear.gather [hbm4b:s30+s19], $0x1E80, $0x38;
	[tilespmem:$0x1EB80] =	vst v63  }
.LBB2_4:
0x2e: {  	s15 =	smul.u32 $0x7A, s19;
	_ =	sdelay $0x1  }
0x2f: {  	s15 =	sadd.s32 s15, s7  }
0x30: {  	s20 =	smul.u32 $0x30, s15  }
0x31: {  	s15 =	sshll.u32 s15, $0x4  }
0x32: {  	s15 =	sand.u32 $0x1FFFFFF0, s15;
	s20 =	sadd.s32 s4, s20  }
0x33: {  	[tilespmem:s0], [sflag:$0x2] =	stream.linear.gather [hbm4b:s20+s3], $0x5B80, $0x38;
	[tilespmem:$0x1EB80] =	vst v63  }
0x34: {  	s15 =	sadd.s32 s2, s15  }
0x35: {  	[tilespmem:s1], [sflag:$0x2] =	stream.linear.gather [hbm4b:s15+s3], $0x1E80, $0x38;
	[tilespmem:$0x1EB80] =	vst v63  }
0x36: {  	s20 =	simm.s32 $0x0;
	_ =	swait.ge [sflag:s9], $0x5B80  }
0x37: {  	s30 =	sand.u32 $0x1F80, s20;
	[sflag:s9] =	ssyncset.done $0x0  }
0x38: {  	s22 =	simm.s32 $0x10;
	s15 =	smul.u32 $0xC, s30;
	[sflag:s9] =	ssyncadd.s32 $0xFFFFA480  }
0x39: {  	s23 =	simm.s32 $0x30;
	s22 =	sand.u32 $0x50, s22;
	_ =	swait.ge [sflag:s9], $0x1E80  }
0x3a: {  	s21 =	sand.u32 $0x40, s20;
	s15 =	sshrl.u32 s15, $0x2;
	[sflag:s9] =	ssyncset.done $0x0  }
0x3b: {  	s24 =	sor.u32 s21, s15;
	s25 =	sadd.s32 $0x100, s15;
	[sflag:s9] =	ssyncadd.s32 $0xFFFFE180  }
0x3c: {  	s26 =	simm.s32 $0x20;
	s23 =	sand.u32 $0x70, s23;
	s5 =	sor.u32 s22, s25;
	v4 =	vld [tilespmem:s24+$0x0]  }
0x3d: {  	s26 =	sand.u32 $0x60, s26;
	s11 =	sor.u32 s23, s25;
	v5 =	vld [tilespmem:s5+$0x0]  }
0x3e: {  	s28 =	sor.u32 s26, s25;
	v6 =	vld [tilespmem:s11+$0x0]  }
0x3f: {  	s16 =	sor.u32 s23, s15;
	v7 =	vld [tilespmem:s28+$0x0]  }
0x40: {  	v8 =	vld [tilespmem:s16+$0x0]  }
0x41: {  	s25 =	sor.u32 s21, s25  }
0x42: {  	s17 =	sadd.s32 $0x80, s15;
	s29 =	sor.u32 s22, s15;
	v9 =	vld [tilespmem:s25+$0x0]  }
0x43: {  	s22 =	sor.u32 s22, s17;
	v10 =	vld [tilespmem:s29+$0x0];
	v4 =	vadd.f32 $9.000000000e+01, v4  }
0x44: {  	s23 =	sor.u32 s23, s17;
	v12 =	vld [tilespmem:s22+$0x0];
	v5 =	vadd.f32 $-1.000000000e+01, v5;
	v6 =	vadd.f32 $-1.000000000e+01, v6  }
0x45: {  	s15 =	sor.u32 s26, s15;
	v13 =	vld [tilespmem:s23+$0x0];
	v7 =	vadd.f32 $-1.000000000e+01, v7;
	v11 =	vadd.f32 $9.000000000e+01, v8;
	v4 =	vmul.f32 v4, v0  }
0x46: {  	v14 =	vld [tilespmem:s15+$0x0];
	v5 =	vmul.f32 v5, v2;
	v6 =	vmul.f32 v6, v2  }
0x47: {  	v11 =	vmul.f32 v11, v0;
	v7 =	vmul.f32 v7, v2  }
0x48: {  	s21 =	sor.u32 s21, s17;
	v4 =	vtrunc.f32 v4;
	v8 =	vtrunc.f32 v5;
	v5 =	vadd.f32 $9.000000000e+01, v10  }
0x49: {  	s30 =	sor.u32 s26, s17;
	v16 =	vld [tilespmem:s21+$0x0];
	v6 =	vtrunc.f32 v6;
	v15 =	vcvt.f32.s32 v4;
	v4 =	vadd.f32 $-1.000000000e+01, v9  }
0x4a: {  	v10 =	vld [tilespmem:s30+$0x0];
	v7 =	vtrunc.f32 v7;
	v9 =	vadd.f32 $1.200000000e+01, v12;
	v12 =	vadd.f32 $1.200000000e+01, v13  }
0x4b: {  	v6 =	vcvt.f32.s32 v6;
	v13 =	vadd.f32 $9.000000000e+01, v14;
	v7 =	vcvt.f32.s32 v7  }
0x4c: {  	v5 =	vmul.f32 v5, v0;
	vm0 =	vlt.s32 v15, $0x59;
	v12 =	vmul.f32 v12, v1  }
0x4d: {  	v17 =	vmul.f32 v9, v1;
	v14 =	vnsel vm0, $0x59, v15;
	v15 =	vmul.f32 v13, v0  }
0x4e: {  	v9 =	vadd.f32 $1.200000000e+01, v16;
	v5 =	vtrunc.f32 v5;
	vm0 =	vlt.s32 v6, $0xF  }
0x4f: {  	v18 =	vadd.f32 $1.200000000e+01, v10;
	v13 =	vcvt.f32.s32 v5;
	v5 =	vtrunc.f32 v15  }
0x50: {  	v6 =	vnsel vm0, $0xF, v6;
	v12 =	vtrunc.f32 v12;
	v10 =	vcvt.f32.s32 v5  }
0x51: {  	v5 =	vmul.u32 $0x140, v14;
	v14 =	vtrunc.f32 v17;
	v15 =	vmul.f32 v18, v1  }
0x52: {  	s21 =	simm.s32 $0xB720;
	s15 =	simm.s32 $0xB720;
	v12 =	vcvt.f32.s32 v12;
	v14 =	vcvt.f32.s32 v14;
	vm0 =	vlt.s32 v10, $0x59  }
.LBB2_5:
0x53: {  	vm1 =	vlt.s32 v13, $0x59;
	v15 =	vtrunc.f32 v15;
	v11 =	vtrunc.f32 v11;
	s21 =	sadd.s32 $0x40, s21;
	s22 =	smov.u32 s20;
	s20 =	sadd.s32 $0x40, s20  }
0x54: {  	v8 =	vcvt.f32.s32 v8;
	s23 =	sand.u32 $0x1F80, s20;
	p1 =	slt.u32 s20, $0x1E40;
	v13 =	vnsel vm1, $0x59, v13;
	vm1 =	vlt.s32 v14, $0x13  }
0x55: {  	s24 =	sand.u32 $0x40, s20;
	v11 =	vcvt.f32.s32 v11;
	s23 =	smul.u32 $0xC, s23;
	v14 =	vnsel vm1, $0x13, v14;
	v13 =	vmul.u32 $0x140, v13  }
0x56: {  	s25 =	sadd.s32 $0x50, s22;
	s26 =	sadd.s32 $0x60, s22;
	s22 =	sadd.s32 $0x70, s22;
	v15 =	vcvt.f32.s32 v15;
	vm1 =	vlt.s32 v12, $0x13;
	v14 =	vshll.u32 v14, $0x4;
	v16 =	vld [tilespmem:s15+$0x0]  }
0x57: {  	s25 =	sand.u32 $0x50, s25;
	s22 =	sand.u32 $0x70, s22;
	vm2 =	vlt.s32 v8, $0xF;
	vm3 =	vlt.s32 v11, $0x59;
	v12 =	vnsel vm1, $0x13, v12;
	s23 =	sshrl.u32 s23, $0x2;
	v17 =	vld [tilespmem:s15+$0xFFFFFFF0]  }
0x58: {  	vm1 =	vlt.s32 v15, $0x13;
	v11 =	vnsel vm3, $0x59, v11;
	v12 =	vshll.u32 v12, $0x4;
	s28 =	sor.u32 s24, s23;
	s29 =	sadd.s32 $0x80, s23;
	s30 =	sadd.s32 $0x100, s23;
	v18 =	vld [tilespmem:s15+$0x10]  }
0x59: {  	s26 =	sand.u32 $0x60, s26;
	v8 =	vnsel vm2, $0xF, v8;
	v13 =	vadd.s32 v13, v14;
	v14 =	vnsel vm1, $0x13, v15;
	v19 =	vld [tilespmem:s28+$0x0];
	s28 =	sor.u32 s25, s29;
	s5 =	sor.u32 s25, s30  }
0x5a: {  	v13 =	vadd.s32 v8, v13;
	v8 =	vnsel vm0, $0x59, v10;
	v10 =	vmul.u32 $0x140, v11;
	s11 =	sor.u32 s24, s29;
	s17 =	sor.u32 s22, s30;
	v15 =	vld [tilespmem:s5+$0x0];
	s5 =	sor.u32 s22, s29  }
0x5b: {  	v9 =	vmul.f32 v9, v1;
	vm0 =	vlt.s32 v7, $0xF;
	s25 =	sor.u32 s25, s23;
	s16 =	sor.u32 s26, s30;
	v8 =	vmul.u32 $0x140, v8;
	s29 =	sor.u32 s26, s29;
	v11 =	vld [tilespmem:s17+$0x0]  }
0x5c: {  	v14 =	vshll.u32 v14, $0x4;
	v7 =	vnsel vm0, $0xF, v7;
	v10 =	vadd.s32 v10, v12;
	s17 =	sor.u32 s24, s30;
	s24 =	sor.u32 s26, s23;
	v20 =	vld [tilespmem:s16+$0x0];
	s16 =	sor.u32 s22, s23  }
0x5d: {  	v4 =	vmul.f32 v4, v2;
	v8 =	vadd.s32 v8, v14;
	v6 =	vadd.s32 v6, v10;
	v12 =	vld [tilespmem:s16+$0x0]  }
0x5e: {  	v9 =	vtrunc.f32 v9;
	v7 =	vadd.s32 v7, v8;
	v10 =	vld [tilespmem:s11+$0x0];
	v14 =	vadd.f32 $9.000000000e+01, v19  }
0x5f: {  	v4 =	vtrunc.f32 v4;
	v9 =	vcvt.f32.s32 v9;
	v8 =	vld [tilespmem:s17+$0x0];
	v15 =	vadd.f32 $-1.000000000e+01, v15  }
0x60: {  	v21 =	vcvt.f32.s32 v4;
	v14 =	vmul.f32 v14, v0;
	v19 =	vld [tilespmem:s25+$0x0];
	v11 =	vadd.f32 $-1.000000000e+01, v11  }
0x61: {  	vm0 =	vlt.s32 v9, $0x13;
	v22 =	vld [tilespmem:s28+$0x0];
	v15 =	vmul.f32 v15, v2;
	v20 =	vadd.f32 $-1.000000000e+01, v20  }
0x62: {  	v9 =	vnsel vm0, $0x13, v9;
	v4 =	vtrunc.f32 v14;
	v14 =	vld [tilespmem:s5+$0x0];
	v12 =	vadd.f32 $9.000000000e+01, v12  }
0x63: {  	v9 =	vshll.u32 v9, $0x4;
	v24 =	vmul.f32 v11, v2;
	v23 =	vcvt.f32.s32 v4;
	[tilespmem:v6+s10+$0x0] =	vst.idx.add.f32.msk $0xffff, v18  }
0x64: {  	v4 =	vadd.f32 $-1.000000000e+01, v8;
	v8 =	vtrunc.f32 v15;
	v6 =	vld [tilespmem:s24+$0x0];
	v11 =	vmul.f32 v12, v0  }
0x65: {  	v5 =	vadd.s32 v5, v9;
	v15 =	vtrunc.f32 v24;
	v12 =	vadd.f32 $9.000000000e+01, v19;
	[tilespmem:v13+s10+$0x0] =	vst.idx.add.f32.msk $0xffff, v17  }
0x66: {  	vm1 =	vlt.s32 v21, $0xF;
	vm0 =	vlt.s32 v23, $0x59;
	v9 =	vadd.f32 $1.200000000e+01, v22;
	v13 =	vld [tilespmem:s29+$0x0]  }
0x67: {  	v15 =	vcvt.f32.s32 v15;
	v19 =	vnsel vm1, $0xF, v21;
	v17 =	vnsel vm0, $0x59, v23;
	v18 =	vld [tilespmem:s15+$0xFFFFFFE0];
	s15 =	smov.u32 s21  }
0x68: {  	v5 =	vadd.s32 v19, v5;
	v12 =	vmul.f32 v12, v0;
	v14 =	vadd.f32 $1.200000000e+01, v14;
	[tilespmem:v7+s10+$0x0] =	vst.idx.add.f32.msk $0xffff, v16  }
0x69: {  	vm0 =	vlt.s32 v15, $0xF;
	v7 =	vmul.f32 v20, v2;
	v6 =	vadd.f32 $9.000000000e+01, v6  }
0x6a: {  	v12 =	vtrunc.f32 v12;
	v14 =	vmul.f32 v14, v1  }
0x6b: {  	v7 =	vtrunc.f32 v7;
	v16 =	vmul.f32 v6, v0;
	v6 =	vnsel vm0, $0xF, v15  }
.Ltmp1:
0x6c: {  	v15 =	vmul.f32 v9, v1;
	v19 =	vadd.f32 $1.200000000e+01, v13;
	v7 =	vcvt.f32.s32 v7;
	(pc) =	sbr.rel @p1 .LBB2_5-.Ltmp1, $4  }
0x6d: {  	v13 =	vcvt.f32.s32 v12;
	v12 =	vtrunc.f32 v16;
	[tilespmem:v5+s10+$0x0] =	vst.idx.add.f32.msk $0xffff, v18  }
0x6e: {  	v9 =	vadd.f32 $1.200000000e+01, v10;
	v10 =	vcvt.f32.s32 v12;
	v12 =	vtrunc.f32 v14  }
0x6f: {  	v5 =	vmul.u32 $0x140, v17;
	v14 =	vtrunc.f32 v15;
	v15 =	vmul.f32 v19, v1  }
0x70: {  	v14 =	vcvt.f32.s32 v14;
	v12 =	vcvt.f32.s32 v12;
	vm0 =	vlt.s32 v10, $0x59  }
0x71: {  	vm1 =	vlt.s32 v13, $0x59;
	v15 =	vtrunc.f32 v15;
	v11 =	vtrunc.f32 v11  }
0x72: {  	v8 =	vcvt.f32.s32 v8;
	v9 =	vmul.f32 v9, v1;
	v10 =	vnsel vm0, $0x59, v10  }
0x73: {  	v4 =	vmul.f32 v4, v2;
	vm0 =	vlt.s32 v7, $0xF;
	v13 =	vnsel vm1, $0x59, v13  }
0x74: {  	vm1 =	vlt.s32 v14, $0x13;
	v11 =	vcvt.f32.s32 v11;
	v15 =	vcvt.f32.s32 v15  }
0x75: {  	v10 =	vmul.u32 $0x140, v10;
	v7 =	vnsel vm0, $0xF, v7;
	v14 =	vnsel vm1, $0x13, v14  }
0x76: {  	v13 =	vmul.u32 $0x140, v13;
	vm1 =	vlt.s32 v12, $0x13;
	vm2 =	vlt.s32 v8, $0xF  }
0x77: {  	v9 =	vtrunc.f32 v9;
	v4 =	vtrunc.f32 v4;
	v14 =	vshll.u32 v14, $0x4  }
0x78: {  	vm3 =	vlt.s32 v11, $0x59;
	v12 =	vnsel vm1, $0x13, v12;
	vm1 =	vlt.s32 v15, $0x13  }
0x79: {  	v8 =	vnsel vm2, $0xF, v8;
	v9 =	vcvt.f32.s32 v9;
	v4 =	vcvt.f32.s32 v4  }
0x7a: {  	v11 =	vnsel vm3, $0x59, v11;
	v13 =	vadd.s32 v13, v14;
	v14 =	vnsel vm1, $0x13, v15  }
0x7b: {  	v8 =	vadd.s32 v8, v13;
	v11 =	vmul.u32 $0x140, v11;
	v13 =	vshll.u32 v14, $0x4  }
0x7c: {  	v12 =	vshll.u32 v12, $0x4;
	vm0 =	vlt.s32 v9, $0x13;
	v10 =	vadd.s32 v10, v13  }
0x7d: {  	v9 =	vnsel vm0, $0x13, v9;
	v13 =	vld [tilespmem:s15+$0x0];
	v11 =	vadd.s32 v11, v12;
	v7 =	vadd.s32 v7, v10  }
0x7e: {  	s5 =	sshll.u32 s19, $0x1;
	vm0 =	vlt.s32 v4, $0xF;
	v12 =	vld [tilespmem:s15+$0x10];
	v9 =	vshll.u32 v9, $0x4;
	v6 =	vadd.s32 v6, v11  }
0x7f: {  	s5 =	smin.u32 s5, $0xD;
	v4 =	vnsel vm0, $0xF, v4;
	v11 =	vld [tilespmem:s15+$0xFFFFFFF0];
	v5 =	vadd.s32 v5, v9  }
0x80: {  	s5 =	smul.u32 $0x3D, s5;
	v9 =	vld [tilespmem:s15+$0xFFFFFFE0];
	v4 =	vadd.s32 v4, v5;
	_ =	sdelay $0x1  }
0x81: {  	s5 =	sadd.s32 s5, s8;
	[tilespmem:v7+s10+$0x0] =	vst.idx.add.f32.msk $0xffff, v13  }
0x82: {  	s11 =	smul.u32 $0x30, s5;
	[tilespmem:v6+s10+$0x0] =	vst.idx.add.f32.msk $0xffff, v12  }
0x83: {  	[tilespmem:v8+s10+$0x0] =	vst.idx.add.f32.msk $0xffff, v11  }
0x84: {  	s5 =	sshll.u32 s5, $0x4;
	s11 =	sadd.s32 s4, s11;
	[tilespmem:v4+s10+$0x0] =	vst.idx.add.f32.msk $0xffff, v9  }
0x85: {  	[tilespmem:s3], [sflag:$0x1] =	stream.linear.gather [hbm4b:s11+s3], $0x5B80, $0x38;
	[tilespmem:$0x1EB80] =	vst v63  }
0x86: {  	s20 =	simm.s32 $0x0;
	s5 =	sadd.s32 s2, s5  }
0x87: {  	[tilespmem:s31], [sflag:$0x1] =	stream.linear.gather [hbm4b:s5+s3], $0x1E80, $0x38;
	[tilespmem:$0x1EB80] =	vst v63  }
0x88: {  	s28 =	sand.u32 $0x1F80, s20;
	_ =	swait.ge [sflag:s6], $0x5B80  }
0x89: {  	s5 =	smul.u32 $0xC, s28;
	[sflag:s6] =	ssyncset.done $0x0  }
0x8a: {  	s29 =	simm.s32 $0x30;
	[sflag:s6] =	ssyncadd.s32 $0xFFFFA480  }
0x8b: {  	s21 =	simm.s32 $0x20;
	s5 =	sshrl.u32 s5, $0x2;
	_ =	swait.ge [sflag:s6], $0x1E80  }
0x8c: {  	s11 =	sand.u32 $0x70, s29;
	s15 =	sadd.s32 $0x5C80, s5;
	[sflag:s6] =	ssyncset.done $0x0  }
0x8d: {  	s16 =	sand.u32 $0x40, s20;
	s17 =	sor.u32 s11, s15;
	[sflag:s6] =	ssyncadd.s32 $0xFFFFE180  }
0x8e: {  	s21 =	sand.u32 $0x60, s21;
	s22 =	sadd.s32 $0x5C00, s5;
	s23 =	sor.u32 s16, s15;
	v4 =	vld [tilespmem:s17+$0x0]  }
0x8f: {  	s25 =	sor.u32 s21, s22;
	v5 =	vld [tilespmem:s23+$0x0]  }
0x90: {  	s30 =	simm.s32 $0x10;
	s5 =	sadd.s32 $0x5B80, s5;
	s24 =	sor.u32 s16, s22;
	v7 =	vld [tilespmem:s25+$0x0]  }
0x91: {  	s16 =	sor.u32 s16, s5;
	s17 =	sand.u32 $0x50, s30;
	v6 =	vld [tilespmem:s24+$0x0]  }
0x92: {  	v11 =	vld [tilespmem:s16+$0x0];
	s26 =	sor.u32 s17, s22  }
0x93: {  	s22 =	sor.u32 s11, s22;
	v8 =	vld [tilespmem:s26+$0x0];
	v4 =	vadd.f32 $-1.000000000e+01, v4  }
0x94: {  	s28 =	sor.u32 s17, s5;
	v10 =	vld [tilespmem:s22+$0x0];
	v5 =	vadd.f32 $-1.000000000e+01, v5  }
0x95: {  	s29 =	sor.u32 s21, s15;
	v9 =	vld [tilespmem:s28+$0x0];
	v7 =	vadd.f32 $1.200000000e+01, v7;
	v4 =	vmul.f32 v4, v2  }
0x96: {  	v12 =	vld [tilespmem:s29+$0x0];
	s11 =	sor.u32 s11, s5;
	v6 =	vadd.f32 $1.200000000e+01, v6;
	v5 =	vmul.f32 v5, v2  }
0x97: {  	s5 =	sor.u32 s21, s5;
	v14 =	vld [tilespmem:s11+$0x0];
	v11 =	vadd.f32 $9.000000000e+01, v11;
	v7 =	vmul.f32 v7, v1;
	v4 =	vtrunc.f32 v4  }
0x98: {  	v13 =	vmul.f32 v6, v1;
	v6 =	vadd.f32 $1.200000000e+01, v8;
	v15 =	vcvt.f32.s32 v4;
	v4 =	vld [tilespmem:s5+$0x0]  }
0x99: {  	v10 =	vadd.f32 $1.200000000e+01, v10;
	v5 =	vtrunc.f32 v5;
	v7 =	vtrunc.f32 v7  }
0x9a: {  	v8 =	vadd.f32 $9.000000000e+01, v9;
	v9 =	vcvt.f32.s32 v5;
	v5 =	vcvt.f32.s32 v7  }
0x9b: {  	v12 =	vadd.f32 $-1.000000000e+01, v12;
	v13 =	vtrunc.f32 v13;
	v10 =	vmul.f32 v10, v1  }
0x9c: {  	v7 =	vmul.f32 v11, v0;
	v11 =	vcvt.f32.s32 v13;
	vm2 =	vlt.s32 v5, $0x13  }
0x9d: {  	v13 =	vadd.f32 $9.000000000e+01, v14;
	v5 =	vnsel vm2, $0x13, v5;
	v14 =	vadd.f32 $9.000000000e+01, v4  }
0x9e: {  	s30 =	sor.u32 s17, s15;
	v12 =	vmul.f32 v12, v2;
	vm3 =	vlt.s32 v11, $0x13;
	v4 =	vshll.u32 v5, $0x4  }
0x9f: {  	v5 =	vtrunc.f32 v10;
	v10 =	vnsel vm3, $0x13, v11;
	v11 =	vmul.f32 v14, v0;
	v14 =	vld [tilespmem:s30+$0x0]  }
0xa0: {  	v12 =	vtrunc.f32 v12;
	v16 =	vcvt.f32.s32 v5  }
0xa1: {  	v12 =	vcvt.f32.s32 v12;
	vm1 =	vlt.s32 v15, $0xF;
	vm0 =	vlt.s32 v9, $0xF  }
0xa2: {  	v7 =	vtrunc.f32 v7;
	v5 =	vnsel vm1, $0xF, v15;
	vm1 =	vlt.s32 v16, $0x13  }
0xa3: {  	s21 =	simm.s32 $0xD5A0;
	s15 =	simm.s32 $0xD5A0;
	v13 =	vmul.f32 v13, v0;
	v15 =	vcvt.f32.s32 v7;
	v7 =	vnsel vm1, $0x13, v16  }
.LBB2_7:
0xa4: {  	v8 =	vmul.f32 v8, v0;
	v6 =	vmul.f32 v6, v1;
	v14 =	vadd.f32 $-1.000000000e+01, v14;
	s21 =	sadd.s32 $0x40, s21;
	s5 =	smov.u32 s20;
	s20 =	sadd.s32 $0x40, s20  }
0xa5: {  	v9 =	vnsel vm0, $0xF, v9;
	v13 =	vtrunc.f32 v13;
	s11 =	sand.u32 $0x1F80, s20;
	p1 =	slt.u32 s20, $0x1E40;
	vm1 =	vlt.s32 v15, $0x59  }
0xa6: {  	vm0 =	vlt.s32 v12, $0xF;
	s11 =	smul.u32 $0xC, s11;
	v15 =	vnsel vm1, $0x59, v15;
	v6 =	vtrunc.f32 v6  }
0xa7: {  	s16 =	sand.u32 $0x40, s20;
	s17 =	sadd.s32 $0x60, s5;
	s22 =	sadd.s32 $0x70, s5;
	v8 =	vtrunc.f32 v8;
	v12 =	vnsel vm0, $0xF, v12;
	v6 =	vcvt.f32.s32 v6  }
0xa8: {  	s5 =	sadd.s32 $0x50, s5;
	v13 =	vcvt.f32.s32 v13;
	s22 =	sand.u32 $0x70, s22;
	v14 =	vmul.f32 v14, v2;
	v15 =	vmul.u32 $0x140, v15;
	s11 =	sshrl.u32 s11, $0x2;
	v16 =	vld [tilespmem:s15+$0xFFFFFFF0]  }
0xa9: {  	v10 =	vshll.u32 v10, $0x4;
	s23 =	sadd.s32 $0x5B80, s11;
	s24 =	sadd.s32 $0x5C00, s11;
	s11 =	sadd.s32 $0x5C80, s11;
	vm0 =	vlt.s32 v6, $0x13;
	v17 =	vld [tilespmem:s15+$0x10]  }
0xaa: {  	v11 =	vtrunc.f32 v11;
	s5 =	sand.u32 $0x50, s5;
	vm1 =	vlt.s32 v13, $0x59;
	v10 =	vadd.s32 v15, v10;
	s25 =	sor.u32 s16, s23;
	s26 =	sor.u32 s22, s11;
	v18 =	vld [tilespmem:s15+$0xFFFFFFE0]  }
0xab: {  	s17 =	sand.u32 $0x60, s17;
	s28 =	sor.u32 s16, s11;
	s29 =	sor.u32 s22, s24;
	v9 =	vadd.s32 v9, v10;
	v6 =	vnsel vm0, $0x13, v6;
	v10 =	vnsel vm1, $0x59, v13;
	v15 =	vld [tilespmem:s26+$0x0]  }
0xac: {  	v11 =	vcvt.f32.s32 v11;
	v8 =	vcvt.f32.s32 v8;
	s16 =	sor.u32 s16, s24;
	s26 =	sor.u32 s5, s23;
	v10 =	vmul.u32 $0x140, v10;
	v13 =	vld [tilespmem:s28+$0x0];
	s28 =	sor.u32 s22, s23  }
0xad: {  	v7 =	vshll.u32 v7, $0x4;
	v14 =	vtrunc.f32 v14;
	s22 =	sor.u32 s5, s11;
	s11 =	sor.u32 s17, s11;
	v19 =	vld [tilespmem:s16+$0x0];
	s16 =	sor.u32 s17, s24  }
0xae: {  	vm0 =	vlt.s32 v8, $0x59;
	vm1 =	vlt.s32 v11, $0x59;
	s5 =	sor.u32 s5, s24;
	s17 =	sor.u32 s17, s23;
	v7 =	vadd.s32 v10, v7;
	v20 =	vld [tilespmem:s16+$0x0]  }
0xaf: {  	v8 =	vnsel vm0, $0x59, v8;
	v11 =	vnsel vm1, $0x59, v11;
	v5 =	vadd.s32 v5, v7;
	v10 =	vld [tilespmem:s5+$0x0]  }
0xb0: {  	v8 =	vmul.u32 $0x140, v8;
	v7 =	vadd.f32 $-1.000000000e+01, v15;
	[tilespmem:v9+s10+$0x0] =	vst.idx.add.f32.msk $0xffff, v18;
	v9 =	vmul.u32 $0x140, v11  }
0xb1: {  	v14 =	vcvt.f32.s32 v14;
	v6 =	vshll.u32 v6, $0x4;
	v11 =	vadd.f32 $-1.000000000e+01, v13;
	v13 =	vld [tilespmem:s26+$0x0]  }
0xb2: {  	v18 =	vadd.s32 v8, v6;
	v15 =	vld [tilespmem:s29+$0x0];
	v7 =	vmul.f32 v7, v2;
	v4 =	vadd.s32 v9, v4  }
0xb3: {  	vm0 =	vlt.s32 v14, $0xF;
	v8 =	vadd.f32 $1.200000000e+01, v19;
	v9 =	vld [tilespmem:s25+$0x0];
	v11 =	vmul.f32 v11, v2  }
0xb4: {  	v19 =	vadd.f32 $1.200000000e+01, v20;
	v6 =	vadd.f32 $1.200000000e+01, v10;
	v10 =	vld [tilespmem:s11+$0x0];
	v7 =	vtrunc.f32 v7  }
0xb5: {  	v14 =	vnsel vm0, $0xF, v14;
	v20 =	vmul.f32 v8, v1;
	v11 =	vtrunc.f32 v11;
	v21 =	vld [tilespmem:s28+$0x0]  }
0xb6: {  	v14 =	vadd.s32 v14, v18;
	v8 =	vadd.f32 $9.000000000e+01, v13;
	v13 =	vmul.f32 v19, v1;
	[tilespmem:v5+s10+$0x0] =	vst.idx.add.f32.msk $0xffff, v17  }
0xb7: {  	v7 =	vcvt.f32.s32 v7;
	v5 =	vtrunc.f32 v20;
	v17 =	vld [tilespmem:s17+$0x0];
	v15 =	vadd.f32 $1.200000000e+01, v15  }
0xb8: {  	v18 =	vadd.f32 $9.000000000e+01, v9;
	v9 =	vcvt.f32.s32 v11;
	v11 =	vtrunc.f32 v13;
	v13 =	vld [tilespmem:s15+$0x0];
	s15 =	smov.u32 s21  }
0xb9: {  	v12 =	vadd.s32 v12, v4;
	vm1 =	vlt.s32 v7, $0xF;
	v11 =	vcvt.f32.s32 v11  }
0xba: {  	v5 =	vcvt.f32.s32 v5;
	v19 =	vadd.f32 $-1.000000000e+01, v10;
	v18 =	vmul.f32 v18, v0  }
0xbb: {  	v10 =	vmul.f32 v15, v1;
	vm0 =	vlt.s32 v9, $0xF;
	vm2 =	vlt.s32 v11, $0x13;
	[tilespmem:v14+s10+$0x0] =	vst.idx.add.f32.msk $0xffff, v16  }
0xbc: {  	vm3 =	vlt.s32 v5, $0x13;
	v4 =	vnsel vm2, $0x13, v11;
	v11 =	vadd.f32 $9.000000000e+01, v21  }
.Ltmp2:
0xbd: {  	v16 =	vtrunc.f32 v10;
	v15 =	vadd.f32 $9.000000000e+01, v17;
	v14 =	vld [tilespmem:s22+$0x0];
	v4 =	vshll.u32 v4, $0x4;
	(pc) =	sbr.rel @p1 .LBB2_7-.Ltmp2, $4  }
0xbe: {  	v10 =	vnsel vm3, $0x13, v5;
	v17 =	vmul.f32 v19, v2;
	v16 =	vcvt.f32.s32 v16;
	[tilespmem:v12+s10+$0x0] =	vst.idx.add.f32.msk $0xffff, v13  }
0xbf: {  	v5 =	vnsel vm1, $0xF, v7;
	v12 =	vtrunc.f32 v18;
	v13 =	vmul.f32 v11, v0  }
0xc0: {  	v11 =	vmul.f32 v15, v0;
	v7 =	vtrunc.f32 v17;
	vm1 =	vlt.s32 v16, $0x13  }
0xc1: {  	v15 =	vcvt.f32.s32 v12;
	v12 =	vcvt.f32.s32 v7;
	v7 =	vnsel vm1, $0x13, v16  }
0xc2: {  	v8 =	vmul.f32 v8, v0  }
0xc3: {  	v6 =	vmul.f32 v6, v1;
	v14 =	vadd.f32 $-1.000000000e+01, v14;
	v9 =	vnsel vm0, $0xF, v9  }
0xc4: {  	v13 =	vtrunc.f32 v13;
	v10 =	vshll.u32 v10, $0x4;
	v11 =	vtrunc.f32 v11  }
0xc5: {  	v7 =	vshll.u32 v7, $0x4;
	vm1 =	vlt.s32 v15, $0x59;
	v13 =	vcvt.f32.s32 v13  }
0xc6: {  	vm10 =	vlt.s32 v12, $0xF;
	v55 =	vcvt.f32.s32 v11;
	v6 =	vtrunc.f32 v6  }
0xc7: {  	v15 =	vnsel vm1, $0x59, v15;
	v8 =	vtrunc.f32 v8;
	v14 =	vmul.f32 v14, v2  }
0xc8: {  	v6 =	vcvt.f32.s32 v6;
	v15 =	vmul.u32 $0x140, v15;
	vm11 =	vlt.s32 v13, $0x59  }
0xc9: {  	v8 =	vcvt.f32.s32 v8;
	vm14 =	vlt.s32 v55, $0x59;
	v13 =	vnsel vm11, $0x59, v13  }
0xca: {  	v57 =	vtrunc.f32 v14;
	vm12 =	vlt.s32 v6, $0x13;
	v10 =	vadd.s32 v15, v10  }
0xcb: {  	v56 =	vmul.u32 $0x140, v13;
	vm13 =	vlt.s32 v8, $0x59;
	v13 =	vcvt.f32.s32 v57  }
0xcc: {  	v9 =	vadd.s32 v9, v10;
	v6 =	vnsel vm12, $0x13, v6;
	v8 =	vnsel vm13, $0x59, v8  }
0xcd: {  	v10 =	vnsel vm14, $0x59, v55;
	v7 =	vadd.s32 v56, v7;
	v8 =	vmul.u32 $0x140, v8  }
0xce: {  	v58 =	vld [tilespmem:s15+$0xFFFFFFE0];
	v10 =	vmul.u32 $0x140, v10;
	v6 =	vshll.u32 v6, $0x4;
	vm15 =	vlt.s32 v13, $0xF  }
0xcf: {  	v59 =	vld [tilespmem:s15+$0x10];
	v5 =	vadd.s32 v5, v7;
	v60 =	vnsel vm15, $0xF, v13;
	v6 =	vadd.s32 v8, v6  }
0xd0: {  	v62 =	vld [tilespmem:s15+$0xFFFFFFF0];
	s19 =	sadd.s32 $0x1, s19;
	v61 =	vnsel vm10, $0xF, v12;
	v4 =	vadd.s32 v10, v4;
	v6 =	vadd.s32 v60, v6  }
0xd1: {  	v63 =	vld [tilespmem:s15+$0x0];
	p1 =	sne.s32 s19, $0x8;
	v4 =	vadd.s32 v61, v4  }
.Ltmp3:
0xd2: {  	_ = 	snop;
	(pc) =	sbr.rel @p1 .LBB2_4-.Ltmp3, $4  }
0xd3: {  	[tilespmem:v9+s10+$0x0] =	vst.idx.add.f32.msk $0xffff, v58  }
0xd4: {  	[tilespmem:v5+s10+$0x0] =	vst.idx.add.f32.msk $0xffff, v59  }
0xd5: {  	[tilespmem:v6+s10+$0x0] =	vst.idx.add.f32.msk $0xffff, v62  }
0xd6: {  	[tilespmem:v4+s10+$0x0] =	vst.idx.add.f32.msk $0xffff, v63  }
0xd7: {  	_ =	swait.ge [sflag:s9], $0x5B80  }
.Ltmp4:
0xd8: {  	[sflag:s9] =	ssyncset.done $0x0;
	(pc) =	sbr.rel @p0 .LBB2_11-.Ltmp4, $4  }
0xd9: {  	[sflag:s9] =	ssyncadd.s32 $0xFFFFA480  }
0xda: {  	_ =	swait.ge [sflag:s9], $0x1E80  }
0xdb: {  	[sflag:s9] =	ssyncset.done $0x0  }
0xdc: {  	[sflag:s9] =	ssyncadd.s32 $0xFFFFE180  }
0xdd: {  	s5 =	rddreg [dreg:$0x6]  }
0xde: {  	[tilespmem:s3], [sflag:$0x3] =	stream.linear.gather [hbm4b:s5+s3], $0x180, $0x38;
	[tilespmem:$0x1EB80] =	vst v63  }
0xdf: {  	_ =	swait.ge [sflag:s12], $0x180  }
0xe0: {  	[sflag:s12] =	ssyncset.done $0x0  }
0xe1: {  	s30 =	rddreg [dreg:$0x7];
	[sflag:s12] =	ssyncadd.s32 $0xFFFFFE80  }
0xe2: {  	[tilespmem:s31], [sflag:$0x3] =	stream.linear.gather [hbm4b:s30+s3], $0x80, $0x38;
	[tilespmem:$0x1EB80] =	vst v63  }
0xe3: {  	_ =	swait.ge [sflag:s12], $0x80  }
0xe4: {  	[sflag:s12] =	ssyncset.done $0x0  }
0xe5: {  	[sflag:s12] =	ssyncadd.s32 $0xFFFFFF80  }
0xe6: {  	v4 =	vld [tilespmem:$0x0]  }
0xe7: {  	v5 =	vld [tilespmem:$0x80]  }
0xe8: {  	v6 =	vld [tilespmem:$0x100];
	_ =	sdelay $0x2  }
0xe9: {  	v4 =	vadd.f32 $9.000000000e+01, v4  }
0xea: {  	v5 =	vadd.f32 $1.200000000e+01, v5  }
0xeb: {  	v6 =	vadd.f32 $-1.000000000e+01, v6;
	v4 =	vmul.f32 v4, v0  }
0xec: {  	v5 =	vmul.f32 v5, v1  }
0xed: {  	v6 =	vmul.f32 v6, v2;
	v4 =	vtrunc.f32 v4  }
0xee: {  	v5 =	vtrunc.f32 v5;
	v4 =	vcvt.f32.s32 v4  }
0xef: {  	v5 =	vcvt.f32.s32 v5  }
0xf0: {  	v6 =	vtrunc.f32 v6;
	vm0 =	vlt.s32 v4, $0x59  }
0xf1: {  	v6 =	vcvt.f32.s32 v6;
	vm5 =	vlt.s32 v5, $0x13;
	v4 =	vnsel vm0, $0x59, v4  }
0xf2: {  	v5 =	vnsel vm5, $0x13, v5;
	v4 =	vmul.u32 $0x140, v4  }
0xf3: {  	vm6 =	vlt.s32 v6, $0xF;
	v5 =	vshll.u32 v5, $0x4  }
0xf4: {  	v6 =	vnsel vm6, $0xF, v6;
	v4 =	vadd.s32 v4, v5  }
0xf5: {  	v5 =	vld [tilespmem:$0xB700];
	v4 =	vadd.s32 v6, v4;
	_ =	sdelay $0x4  }
0xf6: {  	[tilespmem:v4+s10+$0x0] =	vst.idx.add.f32.msk $0xffff, v5  }
0xf7: {  	v4 =	vld [tilespmem:$0x10]  }
0xf8: {  	v5 =	vld [tilespmem:$0x90]  }
0xf9: {  	v57 =	vld [tilespmem:$0x110];
	_ =	sdelay $0x2  }
0xfa: {  	v4 =	vadd.f32 $9.000000000e+01, v4  }
0xfb: {  	v5 =	vadd.f32 $1.200000000e+01, v5  }
0xfc: {  	v6 =	vadd.f32 $-1.000000000e+01, v57;
	v4 =	vmul.f32 v4, v0  }
0xfd: {  	v5 =	vmul.f32 v5, v1  }
0xfe: {  	v6 =	vmul.f32 v6, v2;
	v4 =	vtrunc.f32 v4  }
0xff: {  	v5 =	vtrunc.f32 v5;
	v4 =	vcvt.f32.s32 v4  }
0x100: {  	v5 =	vcvt.f32.s32 v5  }
0x101: {  	v6 =	vtrunc.f32 v6;
	vm7 =	vlt.s32 v4, $0x59  }
0x102: {  	v6 =	vcvt.f32.s32 v6;
	vm8 =	vlt.s32 v5, $0x13;
	v4 =	vnsel vm7, $0x59, v4  }
0x103: {  	v5 =	vnsel vm8, $0x13, v5;
	v4 =	vmul.u32 $0x140, v4  }
0x104: {  	vm9 =	vlt.s32 v6, $0xF;
	v5 =	vshll.u32 v5, $0x4  }
0x105: {  	v6 =	vnsel vm9, $0xF, v6;
	v4 =	vadd.s32 v4, v5  }
0x106: {  	v5 =	vld [tilespmem:$0xB710];
	v4 =	vadd.s32 v6, v4;
	_ =	sdelay $0x4  }
0x107: {  	[tilespmem:v4+s10+$0x0] =	vst.idx.add.f32.msk $0xffff, v5  }
0x108: {  	v4 =	vld [tilespmem:$0x20]  }
0x109: {  	v5 =	vld [tilespmem:$0xA0]  }
0x10a: {  	v58 =	vld [tilespmem:$0x120];
	_ =	sdelay $0x2  }
0x10b: {  	v4 =	vadd.f32 $9.000000000e+01, v4  }
0x10c: {  	v5 =	vadd.f32 $1.200000000e+01, v5  }
0x10d: {  	v6 =	vadd.f32 $-1.000000000e+01, v58;
	v4 =	vmul.f32 v4, v0  }
0x10e: {  	v5 =	vmul.f32 v5, v1  }
0x10f: {  	v6 =	vmul.f32 v6, v2;
	v4 =	vtrunc.f32 v4  }
0x110: {  	v5 =	vtrunc.f32 v5;
	v4 =	vcvt.f32.s32 v4  }
0x111: {  	v5 =	vcvt.f32.s32 v5  }
0x112: {  	v6 =	vtrunc.f32 v6;
	vm10 =	vlt.s32 v4, $0x59  }
0x113: {  	v6 =	vcvt.f32.s32 v6;
	vm11 =	vlt.s32 v5, $0x13;
	v4 =	vnsel vm10, $0x59, v4  }
0x114: {  	v5 =	vnsel vm11, $0x13, v5;
	v4 =	vmul.u32 $0x140, v4  }
0x115: {  	vm12 =	vlt.s32 v6, $0xF;
	v5 =	vshll.u32 v5, $0x4  }
0x116: {  	v6 =	vnsel vm12, $0xF, v6;
	v4 =	vadd.s32 v4, v5  }
0x117: {  	v5 =	vld [tilespmem:$0xB720];
	v4 =	vadd.s32 v6, v4;
	_ =	sdelay $0x4  }
0x118: {  	[tilespmem:v4+s10+$0x0] =	vst.idx.add.f32.msk $0xffff, v5  }
0x119: {  	v4 =	vld [tilespmem:$0x30]  }
0x11a: {  	v5 =	vld [tilespmem:$0xB0]  }
0x11b: {  	v59 =	vld [tilespmem:$0x130];
	_ =	sdelay $0x2  }
0x11c: {  	v4 =	vadd.f32 $9.000000000e+01, v4  }
0x11d: {  	v5 =	vadd.f32 $1.200000000e+01, v5  }
0x11e: {  	v6 =	vadd.f32 $-1.000000000e+01, v59;
	v4 =	vmul.f32 v4, v0  }
0x11f: {  	v5 =	vmul.f32 v5, v1  }
0x120: {  	v6 =	vmul.f32 v6, v2;
	v4 =	vtrunc.f32 v4  }
0x121: {  	v5 =	vtrunc.f32 v5;
	v4 =	vcvt.f32.s32 v4  }
0x122: {  	v5 =	vcvt.f32.s32 v5  }
0x123: {  	v6 =	vtrunc.f32 v6;
	vm13 =	vlt.s32 v4, $0x59  }
0x124: {  	v6 =	vcvt.f32.s32 v6;
	vm14 =	vlt.s32 v5, $0x13;
	v4 =	vnsel vm13, $0x59, v4  }
0x125: {  	v5 =	vnsel vm14, $0x13, v5;
	v4 =	vmul.u32 $0x140, v4  }
0x126: {  	vm15 =	vlt.s32 v6, $0xF;
	v5 =	vshll.u32 v5, $0x4  }
0x127: {  	v6 =	vnsel vm15, $0xF, v6;
	v4 =	vadd.s32 v4, v5  }
0x128: {  	v5 =	vld [tilespmem:$0xB730];
	v4 =	vadd.s32 v6, v4;
	_ =	sdelay $0x4  }
0x129: {  	[tilespmem:v4+s10+$0x0] =	vst.idx.add.f32.msk $0xffff, v5  }
0x12a: {  	v4 =	vld [tilespmem:$0x40]  }
0x12b: {  	v5 =	vld [tilespmem:$0xC0]  }
0x12c: {  	v60 =	vld [tilespmem:$0x140];
	_ =	sdelay $0x2  }
0x12d: {  	v4 =	vadd.f32 $9.000000000e+01, v4  }
0x12e: {  	v5 =	vadd.f32 $1.200000000e+01, v5  }
0x12f: {  	v6 =	vadd.f32 $-1.000000000e+01, v60;
	v4 =	vmul.f32 v4, v0  }
0x130: {  	v5 =	vmul.f32 v5, v1  }
0x131: {  	v6 =	vmul.f32 v6, v2;
	v4 =	vtrunc.f32 v4  }
0x132: {  	v5 =	vtrunc.f32 v5;
	v4 =	vcvt.f32.s32 v4  }
0x133: {  	v5 =	vcvt.f32.s32 v5  }
0x134: {  	v6 =	vtrunc.f32 v6;
	vm4 =	vlt.s32 v4, $0x59  }
0x135: {  	v6 =	vcvt.f32.s32 v6;
	vm5 =	vlt.s32 v5, $0x13;
	v4 =	vnsel vm4, $0x59, v4  }
0x136: {  	v5 =	vnsel vm5, $0x13, v5;
	v4 =	vmul.u32 $0x140, v4  }
0x137: {  	vm6 =	vlt.s32 v6, $0xF;
	v5 =	vshll.u32 v5, $0x4  }
0x138: {  	v6 =	vnsel vm6, $0xF, v6;
	v4 =	vadd.s32 v4, v5  }
0x139: {  	v5 =	vld [tilespmem:$0xB740];
	v4 =	vadd.s32 v6, v4;
	_ =	sdelay $0x4  }
0x13a: {  	[tilespmem:v4+s10+$0x0] =	vst.idx.add.f32.msk $0xffff, v5  }
0x13b: {  	v4 =	vld [tilespmem:$0x50]  }
0x13c: {  	v5 =	vld [tilespmem:$0xD0]  }
0x13d: {  	v61 =	vld [tilespmem:$0x150];
	_ =	sdelay $0x2  }
0x13e: {  	v4 =	vadd.f32 $9.000000000e+01, v4  }
0x13f: {  	v5 =	vadd.f32 $1.200000000e+01, v5  }
0x140: {  	v6 =	vadd.f32 $-1.000000000e+01, v61;
	v4 =	vmul.f32 v4, v0  }
0x141: {  	v5 =	vmul.f32 v5, v1  }
0x142: {  	v6 =	vmul.f32 v6, v2;
	v4 =	vtrunc.f32 v4  }
0x143: {  	v5 =	vtrunc.f32 v5;
	v4 =	vcvt.f32.s32 v4  }
0x144: {  	v5 =	vcvt.f32.s32 v5  }
0x145: {  	v6 =	vtrunc.f32 v6;
	vm7 =	vlt.s32 v4, $0x59  }
0x146: {  	v6 =	vcvt.f32.s32 v6;
	vm8 =	vlt.s32 v5, $0x13;
	v4 =	vnsel vm7, $0x59, v4  }
0x147: {  	v5 =	vnsel vm8, $0x13, v5;
	v4 =	vmul.u32 $0x140, v4  }
0x148: {  	vm9 =	vlt.s32 v6, $0xF;
	v5 =	vshll.u32 v5, $0x4  }
0x149: {  	v6 =	vnsel vm9, $0xF, v6;
	v4 =	vadd.s32 v4, v5  }
0x14a: {  	v5 =	vld [tilespmem:$0xB750];
	v4 =	vadd.s32 v6, v4;
	_ =	sdelay $0x4  }
0x14b: {  	[tilespmem:v4+s10+$0x0] =	vst.idx.add.f32.msk $0xffff, v5  }
0x14c: {  	v4 =	vld [tilespmem:$0x60]  }
0x14d: {  	v5 =	vld [tilespmem:$0xE0]  }
0x14e: {  	v62 =	vld [tilespmem:$0x160];
	_ =	sdelay $0x2  }
0x14f: {  	v4 =	vadd.f32 $9.000000000e+01, v4  }
0x150: {  	v5 =	vadd.f32 $1.200000000e+01, v5  }
0x151: {  	v6 =	vadd.f32 $-1.000000000e+01, v62;
	v4 =	vmul.f32 v4, v0  }
0x152: {  	v5 =	vmul.f32 v5, v1  }
0x153: {  	v6 =	vmul.f32 v6, v2;
	v4 =	vtrunc.f32 v4  }
0x154: {  	v5 =	vtrunc.f32 v5;
	v4 =	vcvt.f32.s32 v4  }
0x155: {  	v5 =	vcvt.f32.s32 v5  }
0x156: {  	v6 =	vtrunc.f32 v6;
	vm10 =	vlt.s32 v4, $0x59  }
0x157: {  	v6 =	vcvt.f32.s32 v6;
	vm11 =	vlt.s32 v5, $0x13;
	v4 =	vnsel vm10, $0x59, v4  }
0x158: {  	v5 =	vnsel vm11, $0x13, v5;
	v4 =	vmul.u32 $0x140, v4  }
0x159: {  	vm12 =	vlt.s32 v6, $0xF;
	v5 =	vshll.u32 v5, $0x4  }
0x15a: {  	v6 =	vnsel vm12, $0xF, v6;
	v4 =	vadd.s32 v4, v5  }
0x15b: {  	v5 =	vld [tilespmem:$0xB760];
	v4 =	vadd.s32 v6, v4;
	_ =	sdelay $0x4  }
0x15c: {  	[tilespmem:v4+s10+$0x0] =	vst.idx.add.f32.msk $0xffff, v5  }
0x15d: {  	v4 =	vld [tilespmem:$0x70]  }
0x15e: {  	v5 =	vld [tilespmem:$0xF0]  }
0x15f: {  	v63 =	vld [tilespmem:$0x170];
	_ =	sdelay $0x2  }
0x160: {  	v4 =	vadd.f32 $9.000000000e+01, v4  }
0x161: {  	v5 =	vadd.f32 $1.200000000e+01, v5  }
0x162: {  	v6 =	vadd.f32 $-1.000000000e+01, v63;
	v4 =	vmul.f32 v4, v0  }
0x163: {  	v5 =	vmul.f32 v5, v1  }
0x164: {  	v6 =	vmul.f32 v6, v2;
	v4 =	vtrunc.f32 v4  }
0x165: {  	v5 =	vtrunc.f32 v5;
	v4 =	vcvt.f32.s32 v4  }
0x166: {  	v5 =	vcvt.f32.s32 v5  }
0x167: {  	v6 =	vtrunc.f32 v6;
	vm13 =	vlt.s32 v4, $0x59  }
0x168: {  	v6 =	vcvt.f32.s32 v6;
	vm14 =	vlt.s32 v5, $0x13;
	v4 =	vnsel vm13, $0x59, v4  }
0x169: {  	v5 =	vnsel vm14, $0x13, v5;
	v4 =	vmul.u32 $0x140, v4  }
0x16a: {  	vm15 =	vlt.s32 v6, $0xF;
	v5 =	vshll.u32 v5, $0x4  }
0x16b: {  	v6 =	vnsel vm15, $0xF, v6;
	v4 =	vadd.s32 v4, v5  }
0x16c: {  	v5 =	vld [tilespmem:$0xB770];
	v4 =	vadd.s32 v6, v4;
	_ =	sdelay $0x4  }
0x16d: {  	[tilespmem:v4+s10+$0x0] =	vst.idx.add.f32.msk $0xffff, v5  }
.LBB2_11:
0x16e: {  	s5 =	rddreg [dreg:$0x9]  }
0x16f: {  	[spmem:s5] =	stream.strided.scatter [tilespmem:s10], [sflag:$0x3], $0x7080, s14, s13, $0x38;
	[tilespmem:$0x1EB80] =	vst v63  }
0x170: {  	_ =	swait.ge [sflag:s12], $0x7080  }
0x171: {  	[sflag:s12] =	ssyncset.done $0x0  }
0x172: {  	[sflag:s12] =	ssyncadd.s32 $0xFFFF8F80  }
0x173: {  	[bflag:$0x0] =	sbarrier.arrive $0xFFFF  }
0x174: {  	s11 =	simm.s32 $0x17380;
	s28 =	rddreg [dreg:$0x8]  }
0x175: {  	[tilespmem:s11], [sflag:$0x3] =	stream.strided.gather [spmem:s28], $0x780, s14, s13, $0x38;
	[tilespmem:$0x1EB80] =	vst v63  }
0x176: {  	_ =	swait.ge [sflag:s12], $0x780  }
0x177: {  	[sflag:s12] =	ssyncset.done $0x0  }
0x178: {  	s16 =	simm.s32 $0x16480;
	s29 =	rddreg [dreg:$0xa];
	[sflag:s12] =	ssyncadd.s32 $0xFFFFF880  }
0x179: {  	[tilespmem:s16], [sflag:$0x1] =	stream.strided.gather [spmem:s29], $0x780, s14, s13, $0x38;
	[tilespmem:$0x1EB80] =	vst v63  }
0x17a: {  	_ =	swait.ge [sflag:s9], $0x780  }
0x17b: {  	s17 =	simm.s32 $0x16C00;
	[sflag:s9] =	ssyncset.done $0x0  }
0x17c: {  	s15 =	simm.s32 $0x0;
	s30 =	rddreg [dreg:$0xb];
	[sflag:s9] =	ssyncadd.s32 $0xFFFFF880  }
0x17d: {  	[tilespmem:s17], [sflag:$0x2] =	stream.strided.gather [spmem:s30], $0x780, s14, s13, $0x38;
	[tilespmem:$0x1EB80] =	vst v63  }
0x17e: {  	s19 =	simm.s32 $0x40;
	v4 =	vld [tilespmem:s15+$0x16480]  }
.LBB2_12:
0x17f: {  	p1 =	sne.s32 s19, $0x1DC0;
	v5 =	vld [tilespmem:s15+$0x17380];
	_ =	sdelay $0x2  }
.Ltmp5:
0x180: {  	(pc) =	sbr.rel @p1 .LBB2_12-.Ltmp5, $4  }
0x181: {  	_ = 	snop  }
0x182: {  	v5 =	vadd.f32 v4, v5  }
0x183: {  	s5 =	sshra.s32 s19, $0x2  }
0x184: {  	s19 =	sadd.s32 $0x40, s19;
	v4 =	vld [tilespmem:s5+$0x16480];
	[tilespmem:s15+$0x17380] =	vst v5;
	s15 =	smov.u32 s5  }
0x185: {  	v5 =	vld [tilespmem:s15+$0x17380];
	_ =	sdelay $0x4  }
0x186: {  	v4 =	vadd.f32 v4, v5;
	_ =	sdelay $0x1  }
0x187: {  	[tilespmem:s15+$0x17380] =	vst v4  }
0x188: {  	_ =	swait.ge [sflag:s6], $0x780  }
0x189: {  	[sflag:s6] =	ssyncset.done $0x0  }
0x18a: {  	s15 =	simm.s32 $0x0;
	s5 =	rddreg [dreg:$0xc];
	[sflag:s6] =	ssyncadd.s32 $0xFFFFF880  }
0x18b: {  	[tilespmem:s16], [sflag:$0x1] =	stream.strided.gather [spmem:s5], $0x780, s14, s13, $0x38;
	[tilespmem:$0x1EB80] =	vst v63  }
0x18c: {  	s19 =	simm.s32 $0x40;
	v4 =	vld [tilespmem:s15+$0x16C00]  }
.LBB2_14:
0x18d: {  	p1 =	sne.s32 s19, $0x1DC0;
	v5 =	vld [tilespmem:s15+$0x17380];
	_ =	sdelay $0x2  }
.Ltmp6:
0x18e: {  	(pc) =	sbr.rel @p1 .LBB2_14-.Ltmp6, $4  }
0x18f: {  	_ = 	snop  }
0x190: {  	v5 =	vadd.f32 v4, v5  }
0x191: {  	s5 =	sshra.s32 s19, $0x2  }
0x192: {  	s19 =	sadd.s32 $0x40, s19;
	v4 =	vld [tilespmem:s5+$0x16C00];
	[tilespmem:s15+$0x17380] =	vst v5;
	s15 =	smov.u32 s5  }
0x193: {  	v5 =	vld [tilespmem:s15+$0x17380];
	_ =	sdelay $0x4  }
0x194: {  	v4 =	vadd.f32 v4, v5;
	_ =	sdelay $0x1  }
0x195: {  	[tilespmem:s15+$0x17380] =	vst v4  }
0x196: {  	_ =	swait.ge [sflag:s9], $0x780  }
0x197: {  	[sflag:s9] =	ssyncset.done $0x0  }
0x198: {  	s15 =	simm.s32 $0x0;
	s5 =	rddreg [dreg:$0xd];
	[sflag:s9] =	ssyncadd.s32 $0xFFFFF880  }
0x199: {  	[tilespmem:s17], [sflag:$0x2] =	stream.strided.gather [spmem:s5], $0x780, s14, s13, $0x38;
	[tilespmem:$0x1EB80] =	vst v63  }
0x19a: {  	s19 =	simm.s32 $0x40;
	v4 =	vld [tilespmem:s15+$0x16480]  }
.LBB2_16:
0x19b: {  	p1 =	sne.s32 s19, $0x1DC0;
	v5 =	vld [tilespmem:s15+$0x17380];
	_ =	sdelay $0x2  }
.Ltmp7:
0x19c: {  	(pc) =	sbr.rel @p1 .LBB2_16-.Ltmp7, $4  }
0x19d: {  	_ = 	snop  }
0x19e: {  	v5 =	vadd.f32 v4, v5  }
0x19f: {  	s5 =	sshra.s32 s19, $0x2  }
0x1a0: {  	s19 =	sadd.s32 $0x40, s19;
	v4 =	vld [tilespmem:s5+$0x16480];
	[tilespmem:s15+$0x17380] =	vst v5;
	s15 =	smov.u32 s5  }
0x1a1: {  	v5 =	vld [tilespmem:s15+$0x17380];
	_ =	sdelay $0x4  }
0x1a2: {  	v4 =	vadd.f32 v4, v5;
	_ =	sdelay $0x1  }
0x1a3: {  	[tilespmem:s15+$0x17380] =	vst v4  }
0x1a4: {  	_ =	swait.ge [sflag:s6], $0x780  }
0x1a5: {  	[sflag:s6] =	ssyncset.done $0x0  }
0x1a6: {  	s15 =	simm.s32 $0x0;
	s5 =	rddreg [dreg:$0xe];
	[sflag:s6] =	ssyncadd.s32 $0xFFFFF880  }
0x1a7: {  	[tilespmem:s16], [sflag:$0x1] =	stream.strided.gather [spmem:s5], $0x780, s14, s13, $0x38;
	[tilespmem:$0x1EB80] =	vst v63  }
0x1a8: {  	s19 =	simm.s32 $0x40;
	v4 =	vld [tilespmem:s15+$0x16C00]  }
.LBB2_18:
0x1a9: {  	p1 =	sne.s32 s19, $0x1DC0;
	v5 =	vld [tilespmem:s15+$0x17380];
	_ =	sdelay $0x2  }
.Ltmp8:
0x1aa: {  	(pc) =	sbr.rel @p1 .LBB2_18-.Ltmp8, $4  }
0x1ab: {  	_ = 	snop  }
0x1ac: {  	v5 =	vadd.f32 v4, v5  }
0x1ad: {  	s5 =	sshra.s32 s19, $0x2  }
0x1ae: {  	s19 =	sadd.s32 $0x40, s19;
	v4 =	vld [tilespmem:s5+$0x16C00];
	[tilespmem:s15+$0x17380] =	vst v5;
	s15 =	smov.u32 s5  }
0x1af: {  	v5 =	vld [tilespmem:s15+$0x17380];
	_ =	sdelay $0x4  }
0x1b0: {  	v4 =	vadd.f32 v4, v5;
	_ =	sdelay $0x1  }
0x1b1: {  	[tilespmem:s15+$0x17380] =	vst v4  }
0x1b2: {  	_ =	swait.ge [sflag:s9], $0x780  }
0x1b3: {  	[sflag:s9] =	ssyncset.done $0x0  }
0x1b4: {  	s15 =	simm.s32 $0x0;
	s5 =	rddreg [dreg:$0xf];
	[sflag:s9] =	ssyncadd.s32 $0xFFFFF880  }
0x1b5: {  	[tilespmem:s17], [sflag:$0x2] =	stream.strided.gather [spmem:s5], $0x780, s14, s13, $0x38;
	[tilespmem:$0x1EB80] =	vst v63  }
0x1b6: {  	s19 =	simm.s32 $0x40;
	v4 =	vld [tilespmem:s15+$0x16480]  }
.LBB2_20:
0x1b7: {  	p1 =	sne.s32 s19, $0x1DC0;
	v5 =	vld [tilespmem:s15+$0x17380];
	_ =	sdelay $0x2  }
.Ltmp9:
0x1b8: {  	(pc) =	sbr.rel @p1 .LBB2_20-.Ltmp9, $4  }
0x1b9: {  	_ = 	snop  }
0x1ba: {  	v5 =	vadd.f32 v4, v5  }
0x1bb: {  	s5 =	sshra.s32 s19, $0x2  }
0x1bc: {  	s19 =	sadd.s32 $0x40, s19;
	v4 =	vld [tilespmem:s5+$0x16480];
	[tilespmem:s15+$0x17380] =	vst v5;
	s15 =	smov.u32 s5  }
0x1bd: {  	v5 =	vld [tilespmem:s15+$0x17380];
	_ =	sdelay $0x4  }
0x1be: {  	v4 =	vadd.f32 v4, v5;
	_ =	sdelay $0x1  }
0x1bf: {  	[tilespmem:s15+$0x17380] =	vst v4  }
0x1c0: {  	_ =	swait.ge [sflag:s6], $0x780  }
0x1c1: {  	[sflag:s6] =	ssyncset.done $0x0  }
0x1c2: {  	s15 =	simm.s32 $0x0;
	s5 =	rddreg [dreg:$0x10];
	[sflag:s6] =	ssyncadd.s32 $0xFFFFF880  }
0x1c3: {  	[tilespmem:s16], [sflag:$0x1] =	stream.strided.gather [spmem:s5], $0x780, s14, s13, $0x38;
	[tilespmem:$0x1EB80] =	vst v63  }
0x1c4: {  	s19 =	simm.s32 $0x40;
	v4 =	vld [tilespmem:s15+$0x16C00]  }
.LBB2_22:
0x1c5: {  	p1 =	sne.s32 s19, $0x1DC0;
	v5 =	vld [tilespmem:s15+$0x17380];
	_ =	sdelay $0x2  }
.Ltmp10:
0x1c6: {  	(pc) =	sbr.rel @p1 .LBB2_22-.Ltmp10, $4  }
0x1c7: {  	_ = 	snop  }
0x1c8: {  	v5 =	vadd.f32 v4, v5  }
0x1c9: {  	s5 =	sshra.s32 s19, $0x2  }
0x1ca: {  	s19 =	sadd.s32 $0x40, s19;
	v4 =	vld [tilespmem:s5+$0x16C00];
	[tilespmem:s15+$0x17380] =	vst v5;
	s15 =	smov.u32 s5  }
0x1cb: {  	v5 =	vld [tilespmem:s15+$0x17380];
	_ =	sdelay $0x4  }
0x1cc: {  	v4 =	vadd.f32 v4, v5;
	_ =	sdelay $0x1  }
0x1cd: {  	[tilespmem:s15+$0x17380] =	vst v4  }
0x1ce: {  	_ =	swait.ge [sflag:s9], $0x780  }
0x1cf: {  	[sflag:s9] =	ssyncset.done $0x0  }
0x1d0: {  	s15 =	simm.s32 $0x0;
	s5 =	rddreg [dreg:$0x11];
	[sflag:s9] =	ssyncadd.s32 $0xFFFFF880  }
0x1d1: {  	[tilespmem:s17], [sflag:$0x2] =	stream.strided.gather [spmem:s5], $0x780, s14, s13, $0x38;
	[tilespmem:$0x1EB80] =	vst v63  }
0x1d2: {  	s19 =	simm.s32 $0x40;
	v4 =	vld [tilespmem:s15+$0x16480]  }
.LBB2_24:
0x1d3: {  	p1 =	sne.s32 s19, $0x1DC0;
	v5 =	vld [tilespmem:s15+$0x17380];
	_ =	sdelay $0x2  }
.Ltmp11:
0x1d4: {  	(pc) =	sbr.rel @p1 .LBB2_24-.Ltmp11, $4  }
0x1d5: {  	_ = 	snop  }
0x1d6: {  	v5 =	vadd.f32 v4, v5  }
0x1d7: {  	s5 =	sshra.s32 s19, $0x2  }
0x1d8: {  	s19 =	sadd.s32 $0x40, s19;
	v4 =	vld [tilespmem:s5+$0x16480];
	[tilespmem:s15+$0x17380] =	vst v5;
	s15 =	smov.u32 s5  }
0x1d9: {  	v5 =	vld [tilespmem:s15+$0x17380];
	_ =	sdelay $0x4  }
0x1da: {  	v4 =	vadd.f32 v4, v5;
	_ =	sdelay $0x1  }
0x1db: {  	[tilespmem:s15+$0x17380] =	vst v4  }
0x1dc: {  	_ =	swait.ge [sflag:s6], $0x780  }
0x1dd: {  	[sflag:s6] =	ssyncset.done $0x0  }
0x1de: {  	s15 =	simm.s32 $0x0;
	s5 =	rddreg [dreg:$0x12];
	[sflag:s6] =	ssyncadd.s32 $0xFFFFF880  }
0x1df: {  	[tilespmem:s16], [sflag:$0x1] =	stream.strided.gather [spmem:s5], $0x780, s14, s13, $0x38;
	[tilespmem:$0x1EB80] =	vst v63  }
0x1e0: {  	s19 =	simm.s32 $0x40;
	v4 =	vld [tilespmem:s15+$0x16C00]  }
.LBB2_26:
0x1e1: {  	p1 =	sne.s32 s19, $0x1DC0;
	v5 =	vld [tilespmem:s15+$0x17380];
	_ =	sdelay $0x2  }
.Ltmp12:
0x1e2: {  	(pc) =	sbr.rel @p1 .LBB2_26-.Ltmp12, $4  }
0x1e3: {  	_ = 	snop  }
0x1e4: {  	v5 =	vadd.f32 v4, v5  }
0x1e5: {  	s5 =	sshra.s32 s19, $0x2  }
0x1e6: {  	s19 =	sadd.s32 $0x40, s19;
	v4 =	vld [tilespmem:s5+$0x16C00];
	[tilespmem:s15+$0x17380] =	vst v5;
	s15 =	smov.u32 s5  }
0x1e7: {  	v5 =	vld [tilespmem:s15+$0x17380];
	_ =	sdelay $0x4  }
0x1e8: {  	v4 =	vadd.f32 v4, v5;
	_ =	sdelay $0x1  }
0x1e9: {  	[tilespmem:s15+$0x17380] =	vst v4  }
0x1ea: {  	_ =	swait.ge [sflag:s9], $0x780  }
0x1eb: {  	[sflag:s9] =	ssyncset.done $0x0  }
0x1ec: {  	s15 =	simm.s32 $0x0;
	s5 =	rddreg [dreg:$0x13];
	[sflag:s9] =	ssyncadd.s32 $0xFFFFF880  }
0x1ed: {  	[tilespmem:s17], [sflag:$0x2] =	stream.strided.gather [spmem:s5], $0x780, s14, s13, $0x38;
	[tilespmem:$0x1EB80] =	vst v63  }
0x1ee: {  	s19 =	simm.s32 $0x40;
	v4 =	vld [tilespmem:s15+$0x16480]  }
.LBB2_28:
0x1ef: {  	p1 =	sne.s32 s19, $0x1DC0;
	v5 =	vld [tilespmem:s15+$0x17380];
	_ =	sdelay $0x2  }
.Ltmp13:
0x1f0: {  	(pc) =	sbr.rel @p1 .LBB2_28-.Ltmp13, $4  }
0x1f1: {  	_ = 	snop  }
0x1f2: {  	v5 =	vadd.f32 v4, v5  }
0x1f3: {  	s5 =	sshra.s32 s19, $0x2  }
0x1f4: {  	s19 =	sadd.s32 $0x40, s19;
	v4 =	vld [tilespmem:s5+$0x16480];
	[tilespmem:s15+$0x17380] =	vst v5;
	s15 =	smov.u32 s5  }
0x1f5: {  	v5 =	vld [tilespmem:s15+$0x17380];
	_ =	sdelay $0x4  }
0x1f6: {  	v4 =	vadd.f32 v4, v5;
	_ =	sdelay $0x1  }
0x1f7: {  	[tilespmem:s15+$0x17380] =	vst v4  }
0x1f8: {  	_ =	swait.ge [sflag:s6], $0x780  }
0x1f9: {  	[sflag:s6] =	ssyncset.done $0x0  }
0x1fa: {  	s15 =	simm.s32 $0x0;
	s5 =	rddreg [dreg:$0x14];
	[sflag:s6] =	ssyncadd.s32 $0xFFFFF880  }
0x1fb: {  	[tilespmem:s16], [sflag:$0x1] =	stream.strided.gather [spmem:s5], $0x780, s14, s13, $0x38;
	[tilespmem:$0x1EB80] =	vst v63  }
0x1fc: {  	s19 =	simm.s32 $0x40;
	v4 =	vld [tilespmem:s15+$0x16C00]  }
.LBB2_30:
0x1fd: {  	p1 =	sne.s32 s19, $0x1DC0;
	v5 =	vld [tilespmem:s15+$0x17380];
	_ =	sdelay $0x2  }
.Ltmp14:
0x1fe: {  	(pc) =	sbr.rel @p1 .LBB2_30-.Ltmp14, $4  }
0x1ff: {  	_ = 	snop  }
0x200: {  	v5 =	vadd.f32 v4, v5  }
0x201: {  	s5 =	sshra.s32 s19, $0x2  }
0x202: {  	s19 =	sadd.s32 $0x40, s19;
	v4 =	vld [tilespmem:s5+$0x16C00];
	[tilespmem:s15+$0x17380] =	vst v5;
	s15 =	smov.u32 s5  }
0x203: {  	v5 =	vld [tilespmem:s15+$0x17380];
	_ =	sdelay $0x4  }
0x204: {  	v4 =	vadd.f32 v4, v5;
	_ =	sdelay $0x1  }
0x205: {  	[tilespmem:s15+$0x17380] =	vst v4  }
0x206: {  	_ =	swait.ge [sflag:s9], $0x780  }
0x207: {  	[sflag:s9] =	ssyncset.done $0x0  }
0x208: {  	s15 =	simm.s32 $0x0;
	s5 =	rddreg [dreg:$0x17];
	[sflag:s9] =	ssyncadd.s32 $0xFFFFF880  }
0x209: {  	[tilespmem:s17], [sflag:$0x2] =	stream.strided.gather [spmem:s5], $0x780, s14, s13, $0x38;
	[tilespmem:$0x1EB80] =	vst v63  }
0x20a: {  	s19 =	simm.s32 $0x40;
	v4 =	vld [tilespmem:s15+$0x16480]  }
.LBB2_32:
0x20b: {  	p1 =	sne.s32 s19, $0x1DC0;
	v5 =	vld [tilespmem:s15+$0x17380];
	_ =	sdelay $0x2  }
.Ltmp15:
0x20c: {  	(pc) =	sbr.rel @p1 .LBB2_32-.Ltmp15, $4  }
0x20d: {  	_ = 	snop  }
0x20e: {  	v5 =	vadd.f32 v4, v5  }
0x20f: {  	s5 =	sshra.s32 s19, $0x2  }
0x210: {  	s19 =	sadd.s32 $0x40, s19;
	v4 =	vld [tilespmem:s5+$0x16480];
	[tilespmem:s15+$0x17380] =	vst v5;
	s15 =	smov.u32 s5  }
0x211: {  	v5 =	vld [tilespmem:s15+$0x17380];
	_ =	sdelay $0x4  }
0x212: {  	v4 =	vadd.f32 v4, v5;
	_ =	sdelay $0x1  }
0x213: {  	[tilespmem:s15+$0x17380] =	vst v4  }
0x214: {  	_ =	swait.ge [sflag:s6], $0x780  }
0x215: {  	[sflag:s6] =	ssyncset.done $0x0  }
0x216: {  	s15 =	simm.s32 $0x0;
	s5 =	rddreg [dreg:$0x18];
	[sflag:s6] =	ssyncadd.s32 $0xFFFFF880  }
0x217: {  	[tilespmem:s16], [sflag:$0x1] =	stream.strided.gather [spmem:s5], $0x780, s14, s13, $0x38;
	[tilespmem:$0x1EB80] =	vst v63  }
0x218: {  	s19 =	simm.s32 $0x40;
	v4 =	vld [tilespmem:s15+$0x16C00]  }
.LBB2_34:
0x219: {  	p1 =	sne.s32 s19, $0x1DC0;
	v5 =	vld [tilespmem:s15+$0x17380];
	_ =	sdelay $0x2  }
.Ltmp16:
0x21a: {  	(pc) =	sbr.rel @p1 .LBB2_34-.Ltmp16, $4  }
0x21b: {  	_ = 	snop  }
0x21c: {  	v5 =	vadd.f32 v4, v5  }
0x21d: {  	s5 =	sshra.s32 s19, $0x2  }
0x21e: {  	s19 =	sadd.s32 $0x40, s19;
	v4 =	vld [tilespmem:s5+$0x16C00];
	[tilespmem:s15+$0x17380] =	vst v5;
	s15 =	smov.u32 s5  }
0x21f: {  	v5 =	vld [tilespmem:s15+$0x17380];
	_ =	sdelay $0x4  }
0x220: {  	v4 =	vadd.f32 v4, v5;
	_ =	sdelay $0x1  }
0x221: {  	[tilespmem:s15+$0x17380] =	vst v4  }
0x222: {  	_ =	swait.ge [sflag:s9], $0x780  }
0x223: {  	[sflag:s9] =	ssyncset.done $0x0  }
0x224: {  	s15 =	simm.s32 $0x0;
	s5 =	rddreg [dreg:$0x19];
	[sflag:s9] =	ssyncadd.s32 $0xFFFFF880  }
0x225: {  	[tilespmem:s17], [sflag:$0x2] =	stream.strided.gather [spmem:s5], $0x780, s14, s13, $0x38;
	[tilespmem:$0x1EB80] =	vst v63  }
0x226: {  	s19 =	simm.s32 $0x40;
	v4 =	vld [tilespmem:s15+$0x16480]  }
.LBB2_36:
0x227: {  	p1 =	sne.s32 s19, $0x1DC0;
	v5 =	vld [tilespmem:s15+$0x17380];
	_ =	sdelay $0x2  }
.Ltmp17:
0x228: {  	(pc) =	sbr.rel @p1 .LBB2_36-.Ltmp17, $4  }
0x229: {  	_ = 	snop  }
0x22a: {  	v5 =	vadd.f32 v4, v5  }
0x22b: {  	s5 =	sshra.s32 s19, $0x2  }
0x22c: {  	s19 =	sadd.s32 $0x40, s19;
	v4 =	vld [tilespmem:s5+$0x16480];
	[tilespmem:s15+$0x17380] =	vst v5;
	s15 =	smov.u32 s5  }
0x22d: {  	v5 =	vld [tilespmem:s15+$0x17380];
	_ =	sdelay $0x4  }
0x22e: {  	v4 =	vadd.f32 v4, v5;
	_ =	sdelay $0x1  }
0x22f: {  	[tilespmem:s15+$0x17380] =	vst v4  }
0x230: {  	_ =	swait.ge [sflag:s6], $0x780  }
0x231: {  	[sflag:s6] =	ssyncset.done $0x0  }
0x232: {  	s15 =	simm.s32 $0x0;
	s5 =	rddreg [dreg:$0x1a];
	[sflag:s6] =	ssyncadd.s32 $0xFFFFF880  }
0x233: {  	[tilespmem:s16], [sflag:$0x1] =	stream.strided.gather [spmem:s5], $0x780, s14, s13, $0x38;
	[tilespmem:$0x1EB80] =	vst v63  }
0x234: {  	s19 =	simm.s32 $0x40;
	v4 =	vld [tilespmem:s15+$0x16C00]  }
.LBB2_38:
0x235: {  	p1 =	sne.s32 s19, $0x1DC0;
	v5 =	vld [tilespmem:s15+$0x17380];
	_ =	sdelay $0x2  }
.Ltmp18:
0x236: {  	(pc) =	sbr.rel @p1 .LBB2_38-.Ltmp18, $4  }
0x237: {  	_ = 	snop  }
0x238: {  	v5 =	vadd.f32 v4, v5  }
0x239: {  	s5 =	sshra.s32 s19, $0x2  }
0x23a: {  	s19 =	sadd.s32 $0x40, s19;
	v4 =	vld [tilespmem:s5+$0x16C00];
	[tilespmem:s15+$0x17380] =	vst v5;
	s15 =	smov.u32 s5  }
0x23b: {  	v5 =	vld [tilespmem:s15+$0x17380];
	_ =	sdelay $0x4  }
0x23c: {  	v4 =	vadd.f32 v4, v5;
	_ =	sdelay $0x1  }
0x23d: {  	[tilespmem:s15+$0x17380] =	vst v4  }
0x23e: {  	_ =	swait.ge [sflag:s9], $0x780  }
0x23f: {  	[sflag:s9] =	ssyncset.done $0x0  }
0x240: {  	s15 =	simm.s32 $0x0;
	[sflag:s9] =	ssyncadd.s32 $0xFFFFF880  }
0x241: {  	s19 =	simm.s32 $0x40;
	v4 =	vld [tilespmem:s15+$0x16480]  }
.LBB2_40:
0x242: {  	p1 =	sne.s32 s19, $0x1DC0;
	v5 =	vld [tilespmem:s15+$0x17380];
	_ =	sdelay $0x2  }
.Ltmp19:
0x243: {  	(pc) =	sbr.rel @p1 .LBB2_40-.Ltmp19, $4  }
0x244: {  	_ = 	snop  }
0x245: {  	v5 =	vadd.f32 v4, v5  }
0x246: {  	s5 =	sshra.s32 s19, $0x2  }
0x247: {  	s19 =	sadd.s32 $0x40, s19;
	v4 =	vld [tilespmem:s5+$0x16480];
	[tilespmem:s15+$0x17380] =	vst v5;
	s15 =	smov.u32 s5  }
0x248: {  	v5 =	vld [tilespmem:s15+$0x17380];
	_ =	sdelay $0x4  }
0x249: {  	v4 =	vadd.f32 v4, v5;
	_ =	sdelay $0x1  }
0x24a: {  	s5 =	rddreg [dreg:$0x15];
	s29 =	simm.s32 $0x100;
	[tilespmem:s15+$0x17380] =	vst v4  }
0x24b: {  	[hbm4b:s5+s13] =	stream.strided.scatter [tilespmem:s11], [sflag:$0x3], $0x780, s29, s13, $0x38;
	[tilespmem:$0x1EB80] =	vst v63  }
0x24c: {  	_ =	swait.ge [sflag:s12], $0x780  }
0x24d: {  	s18 =	sadd.s32 $0x1, s18;
	s30 =	rddreg [dreg:$0x16]  }
0x24e: {  	p1 =	sne.s32 s18, s30  }
.Ltmp20:
0x24f: {  	_ = 	snop;
	(pc) =	sbr.rel @p1 .LBB2_1-.Ltmp20, $3  }
0x250: {  	_ =	sdelay $0x1  }
0x251: {  	[sflag:s12] =	ssyncset.done $0x0  }
0x252: {  	[sflag:s12] =	ssyncadd.s32 $0xFFFFF880  }
0x253: {  	_ =	sfence.sel $0x180000  }
0x254: {  	[bflag:$0x0] =	sbarrier.arrive $0xFFFF  }
0x255: {  	_ =	strace $0x90000047  }
0x256: {  	s0 =	stileid.u32;
	[bflag:$0x2] =	sbarrier.arrive $0xFFFF  }
0x257: {  	p0 =	sne.s32 s0, $0x0;
	s0 =	rddreg [dreg:$0x3]  }
0x258: {  	s0 =	sadd.s32 @!p0 $0x100000, s0  }
0x259: {  	[sflag:s0] =	ssyncadd.tile.s32 @!p0 $0x1;
	_ =	shalt  }
.Lfunc_end2:
_tile_overlayer_lowered:
.L_overlay_start_2:
0x25a: {  	(tag) =	ssettag $0x2  }
0x25b: {  	s0 =	rddreg [dreg:$0x0];
	s2 =	stileid.u32  }
0x25c: {  	s1 =	rddreg [dreg:$0x1];
	p0 =	sne.s32 s2, $0x0  }
0x25d: {  	s3 =	rddreg [dreg:$0x2];
	[bflag:$0x3] =	sbarrier.arrive $0xFFFF;
	s2 =	simm.s32 @!p0 $0x1C03  }
0x25e: {  	[timem:s3], [sflag:s2] =	dma.local @!p0 [hbm:s0], s1  }
0x25f: {  	s0 =	simm.s32 @!p0 $0x3  }
0x260: {  	_ =	swait.ge @!p0 [sflag:s0], s1  }
0x261: {  	s1 =	ssub.s32 @!p0 $0x0, s1;
	[sflag:s0] =	ssyncset.done @!p0 $0x0  }
0x262: {  	[sflag:s0] =	ssyncadd.s32 @!p0 s1  }
0x263: {  	[bflag:$0x3] =	sbarrier.arrive $0xFFFF  }
0x264: {  	_ =	shalt  }

</sc_bundles>
